<compile_context>
chip_gen: v7x
topology: tpu7x:2x2x1
jax: 0.10.2.dev20260603
libtpu: 0.0.44.dev20260713+nightly
codegen_flags: <defaults>
</compile_context>

<pallas_src>
import dataclasses

import jax
import jax.numpy as jnp
from jax import lax
from jax.experimental import pallas as pl
from jax.experimental.pallas import tpu as pltpu
from jax.experimental.pallas import tpu_sc as plsc

N = 10000
D = 128
E = 320000
FC = 256
NC = 8

NPAD = 10240
EPAD = 327680
NSUB = 16
NCORE = 2
NW = NSUB * NCORE
ROWS_PER_SUB = NPAD // NSUB
CHUNK = 128
CHUNKS = EPAD // (NW * CHUNK)
EROWS = EPAD // CHUNK
BLK = 512

_SC_CP = pltpu.CompilerParams()
if "needs_layout_passes" in pltpu.CompilerParams.__dataclass_fields__:
    _SC_CP = dataclasses.replace(_SC_CP, needs_layout_passes=False)


def _seg_sum_sc(values, src2d, dst2d, zero_d, with_counts):
    mesh = plsc.VectorSubcoreMesh(core_axis_name="c", subcore_axis_name="s")
    out_type = [jax.ShapeDtypeStruct((NCORE, NPAD, D), jnp.float32)]
    scratch = [
        pltpu.VMEM((CHUNK,), jnp.int32),
        pltpu.VMEM((CHUNK,), jnp.int32),
        pltpu.VMEM((CHUNK,), jnp.int32),
        pltpu.VMEM((CHUNK,), jnp.int32),
        pltpu.VMEM((CHUNK, D), jnp.float32),
        pltpu.VMEM((CHUNK, D), jnp.float32),
        pltpu.SemaphoreType.DMA,
        pltpu.SemaphoreType.DMA,
        pltpu.SemaphoreType.DMA,
        pltpu.VMEM_SHARED((NPAD, D), jnp.float32),
    ]
    if with_counts:
        out_type.append(jax.ShapeDtypeStruct((NW, NPAD), jnp.float32))
        scratch.append(pltpu.VMEM((NPAD,), jnp.float32))

    def body(x_hbm, s_hbm, d_hbm, z_hbm, p_hbm, c_hbm,
             idx_s0, idx_d0, idx_s1, idx_d1, rows0, rows1, sem0, sem1,
             semi, acc, lcnt):
        cid = lax.axis_index("c")
        sid = lax.axis_index("s")
        gw = cid * NSUB + sid
        r0 = sid * ROWS_PER_SUB

        pltpu.sync_copy(z_hbm.at[pl.ds(r0, ROWS_PER_SUB)],
                        acc.at[pl.ds(r0, ROWS_PER_SUB)])
        if with_counts:
            @pl.loop(0, NPAD, step=16)
            def _(i):
                lcnt[pl.ds(i, 16)] = jnp.zeros((16,), jnp.float32)
        plsc.subcore_barrier()

        ones16 = jnp.ones((16,), jnp.float32)

        def hist(idx_ref):
            @pl.loop(0, CHUNK, step=16)
            def _(k2):
                idx16 = idx_ref[pl.ds(k2, 16)]
                plsc.addupdate_scatter(lcnt, [idx16], ones16)

        @pl.loop(0, CHUNKS, step=2)
        def _(j):
            row = gw * CHUNKS + j
            pltpu.sync_copy(s_hbm.at[row], idx_s0)
            pltpu.sync_copy(d_hbm.at[row], idx_d0)
            cp0 = pltpu.async_copy(x_hbm.at[idx_s0], rows0, sem0)
            pltpu.sync_copy(s_hbm.at[row + 1], idx_s1)
            pltpu.sync_copy(d_hbm.at[row + 1], idx_d1)
            cp1 = pltpu.async_copy(x_hbm.at[idx_s1], rows1, sem1)
            if with_counts:
                hist(idx_d0)
            cp0.wait()
            pltpu.sync_copy(rows0, acc.at[idx_d0], add=True)
            if with_counts:
                hist(idx_d1)
            cp1.wait()
            pltpu.sync_copy(rows1, acc.at[idx_d1], add=True)

        plsc.subcore_barrier()

        pltpu.sync_copy(acc.at[pl.ds(r0, ROWS_PER_SUB)],
                        p_hbm.at[cid, pl.ds(r0, ROWS_PER_SUB)])
        if with_counts:
            pltpu.sync_copy(lcnt, c_hbm.at[gw])

    if with_counts:
        def body_wc(x, s, d, z, p, c, s0, d0, s1, d1, r_0, r_1, m0, m1,
                    mi, acc, lcnt):
            body(x, s, d, z, p, c, s0, d0, s1, d1, r_0, r_1, m0, m1,
                 mi, acc, lcnt)
        k = pl.kernel(body_wc, out_type=out_type, mesh=mesh,
                      compiler_params=_SC_CP, scratch_types=scratch)
    else:
        def body_nc(x, s, d, z, p, s0, d0, s1, d1, r_0, r_1, m0, m1, mi,
                    acc):
            body(x, s, d, z, p, None, s0, d0, s1, d1, r_0, r_1, m0, m1,
                 mi, acc, None)
        k = pl.kernel(body_nc, out_type=out_type, mesh=mesh,
                      scratch_types=scratch)
    return k(values, src2d, dst2d, zero_d)


def _mm(a, b):
    return jnp.dot(a, b, preferred_element_type=jnp.float32,
                   precision=lax.Precision.HIGHEST)


def _tc1_body(x_ref, w_ref, b_ref, o_ref):
    o_ref[...] = _mm(x_ref[...], w_ref[...]) + b_ref[...]


def _tc2_body(p0_ref, p1_ref, c_ref, r1_ref, w1lT_ref, w2rT_ref,
              b2l_ref, h_ref, r2_ref):
    s = p0_ref[0] + p1_ref[0]
    cntv = jnp.maximum(jnp.sum(c_ref[...], axis=0), 1.0)[:, None]
    mean = s / cntv
    o = _mm(mean, w1lT_ref[...]) + r1_ref[...]
    nrm = jnp.sqrt(jnp.sum(o * o, axis=-1, keepdims=True))
    h = jnp.maximum(o / jnp.maximum(nrm, 1e-12), 0.0)
    h_ref[...] = h
    r2_ref[...] = _mm(h, w2rT_ref[...]) + b2l_ref[...]


def _tc3_body(p0_ref, p1_ref, c_ref, r2_ref, w2lT_ref, wc1T_ref,
              bc1_ref, wc2T_ref, bc2_ref, h2_ref, out_ref):
    s = p0_ref[0] + p1_ref[0]
    cntv = jnp.maximum(jnp.sum(c_ref[...], axis=0), 1.0)[:, None]
    mean = s / cntv
    o = _mm(mean, w2lT_ref[...]) + r2_ref[...]
    nrm = jnp.sqrt(jnp.sum(o * o, axis=-1, keepdims=True))
    h2 = o / jnp.maximum(nrm, 1e-12)
    h2_ref[...] = h2
    fc = jnp.maximum(_mm(h2, wc1T_ref[...]) + bc1_ref[...], 0.0)
    out_ref[...] = _mm(fc, wc2T_ref[...]) + bc2_ref[...]


def _rows_spec(last):
    return pl.BlockSpec((BLK, last), lambda i: (i, 0))


def _part_spec(last, core):
    return pl.BlockSpec((1, BLK, last), lambda i, c=core: (c, i, 0))


def _cnt_spec():
    return pl.BlockSpec((NW, BLK), lambda i: (0, i))


def _full_spec(r, c):
    return pl.BlockSpec((r, c), lambda i: (0, 0))


def _tc1(xp, w1rT, b1l2d):
    return pl.pallas_call(
        _tc1_body,
        grid=(NPAD // BLK,),
        in_specs=[_rows_spec(D), _full_spec(D, D), _full_spec(1, D)],
        out_specs=_rows_spec(D),
        out_shape=jax.ShapeDtypeStruct((NPAD, D), jnp.float32),
    )(xp, w1rT, b1l2d)


def _tc2(p, c, r1, w1lT, w2rT, b2l2d):
    return pl.pallas_call(
        _tc2_body,
        grid=(NPAD // BLK,),
        in_specs=[_part_spec(D, 0), _part_spec(D, 1), _cnt_spec(),
                  _rows_spec(D), _full_spec(D, D), _full_spec(D, D),
                  _full_spec(1, D)],
        out_specs=[_rows_spec(D), _rows_spec(D)],
        out_shape=[jax.ShapeDtypeStruct((NPAD, D), jnp.float32),
                   jax.ShapeDtypeStruct((NPAD, D), jnp.float32)],
    )(p, p, c, r1, w1lT, w2rT, b2l2d)


def _tc3(p, c, r2, w2lT, wc1T, bc12d, wc2Tp, bc2p):
    return pl.pallas_call(
        _tc3_body,
        grid=(NPAD // BLK,),
        in_specs=[_part_spec(D, 0), _part_spec(D, 1), _cnt_spec(),
                  _rows_spec(D), _full_spec(D, D), _full_spec(D, FC),
                  _full_spec(1, FC), _full_spec(FC, D), _full_spec(1, D)],
        out_specs=[_rows_spec(D), _rows_spec(D)],
        out_shape=[jax.ShapeDtypeStruct((NPAD, D), jnp.float32),
                   jax.ShapeDtypeStruct((NPAD, D), jnp.float32)],
    )(p, p, c, r2, w2lT, wc1T, bc12d, wc2Tp, bc2p)


def kernel(x, edge_index, W1l, b1l, W1r, W2l, b2l, W2r, Wc1, bc1, Wc2, bc2):
    xp = jnp.pad(x, ((0, NPAD - N), (0, 0)))
    src = edge_index[0]
    dst = edge_index[1]
    srcp = jnp.pad(src, (0, EPAD - E)).reshape(EROWS, CHUNK)
    dstp = jnp.pad(dst, (0, EPAD - E), constant_values=N).reshape(EROWS, CHUNK)
    zero_d = jnp.zeros((NPAD, D), jnp.float32)

    p1, cnt32 = _seg_sum_sc(xp, srcp, dstp, zero_d, True)
    r1 = _tc1(xp, W1r.T, b1l[None, :])
    h, r2 = _tc2(p1, cnt32, r1, W1l.T, W2r.T, b2l[None, :])
    (p2,) = _seg_sum_sc(h, srcp, dstp, zero_d, False)
    wc2Tp = jnp.pad(Wc2.T, ((0, 0), (0, D - NC)))
    bc2p = jnp.pad(bc2, (0, D - NC))[None, :]
    h2p, outp = _tc3(p2, cnt32, r2, W2l.T, Wc1.T, bc1[None, :], wc2Tp, bc2p)

    out = outp[:N, :NC]
    h2 = h2p[:N]
    node_mask = (jax.random.uniform(jax.random.key(1), (N, 1)) > 0.1)
    return (out, node_mask.astype(jnp.float32), h2)

# --- scband reference (transcript-rebuilt; emitter-appended) ---
"""Pipeline reference for scband-graph-net-18382460027234 (READ-ONLY COPY).

The authoritative reference and input builder live on the scoring server;
editing this copy changes nothing except your own understanding.
"""

import jax, jax.numpy as jnp
import numpy as np

N = 10000
E = 320000
IN_DIM = 128
EMB = 128
FC = 256
NC = 8
NODE_DROP = 0.1


def setup_inputs(seed: int = 0) -> dict:
    key = jax.random.key(seed)
    ks = jax.random.split(key, 13)
    x = jax.random.normal(ks[0], (N, IN_DIM), dtype=jnp.float32)
    edge_index = jax.random.randint(ks[1], (2, E), 0, N, dtype=jnp.int32)
    s_in = 1.0 / np.sqrt(IN_DIM)
    s_emb = 1.0 / np.sqrt(EMB)
    s_fc = 1.0 / np.sqrt(FC)
    # SAGEConv layer 1 (lin_l has bias, lin_r no bias)
    W1l = jax.random.normal(ks[2], (EMB, IN_DIM), dtype=jnp.float32) * s_in
    b1l = jax.random.normal(ks[3], (EMB,), dtype=jnp.float32) * s_in
    W1r = jax.random.normal(ks[4], (EMB, IN_DIM), dtype=jnp.float32) * s_in
    # SAGEConv layer 2
    W2l = jax.random.normal(ks[5], (EMB, EMB), dtype=jnp.float32) * s_emb
    b2l = jax.random.normal(ks[6], (EMB,), dtype=jnp.float32) * s_emb
    W2r = jax.random.normal(ks[7], (EMB, EMB), dtype=jnp.float32) * s_emb
    # classifier
    Wc1 = jax.random.normal(ks[8], (FC, EMB), dtype=jnp.float32) * s_emb
    bc1 = jax.random.normal(ks[9], (FC,), dtype=jnp.float32) * s_emb
    Wc2 = jax.random.normal(ks[10], (NC, FC), dtype=jnp.float32) * s_fc
    bc2 = jax.random.normal(ks[11], (NC,), dtype=jnp.float32) * s_fc
    return {"x": x, "edge_index": edge_index, "W1l": W1l, "b1l": b1l, "W1r": W1r,
            "W2l": W2l, "b2l": b2l, "W2r": W2r, "Wc1": Wc1, "bc1": bc1, "Wc2": Wc2, "bc2": bc2}


def _sage_conv(x, src, dst, Wl, bl, Wr):
    # PyG SAGEConv, aggr='mean', normalize=True
    msgs = x[src]                                   # gather x_j  [E, d]
    summed = jax.ops.segment_sum(msgs, dst, num_segments=N)
    cnt = jax.ops.segment_sum(jnp.ones((src.shape[0],), x.dtype), dst, num_segments=N)
    mean = summed / jnp.maximum(cnt, 1.0)[:, None]
    out = mean @ Wl.T + bl + x @ Wr.T
    nrm = jnp.linalg.norm(out, axis=-1, keepdims=True)
    return out / jnp.maximum(nrm, 1e-12)            # F.normalize(p=2, dim=-1)


def reference(x, edge_index, W1l, b1l, W1r, W2l, b2l, W2r, Wc1, bc1, Wc2, bc2):
    # eval mode: node_drop mask is computed but NOT applied; dropout is identity
    src, dst = edge_index[0], edge_index[1]
    h = jax.nn.relu(_sage_conv(x, src, dst, W1l, b1l, W1r))
    h2 = _sage_conv(h, src, dst, W2l, b2l, W2r)
    out = jax.nn.relu(h2 @ Wc1.T + bc1) @ Wc2.T + bc2
    node_mask = (jax.random.uniform(jax.random.key(1), (N, 1)) > NODE_DROP).astype(jnp.float32)
    return (out, node_mask, h2)

if __name__ == "__main__":
    import jax
    _d = setup_inputs()
    print(jax.jit(kernel)(*tuple(_d.values())))

</pallas_src>

<mosaic_0001>
#map = affine_map<(d0, d1) -> (0, 0)>
#map1 = affine_map<(d0, d1) -> (0, 0, 0)>
module attributes {stable_mosaic.version = 14 : i64} {
  func.func @body_wc(%arg0: i32, %arg1: i32, %arg2: memref<10240x128xf32, #tpu.memory_space<hbm>>, %arg3: memref<2560x128xi32, #tpu.memory_space<hbm>>, %arg4: memref<2560x128xi32, #tpu.memory_space<hbm>>, %arg5: memref<10240x128xf32, #tpu.memory_space<hbm>>, %arg6: memref<2x10240x128xf32, #tpu.memory_space<hbm>>, %arg7: memref<32x10240xf32, #tpu.memory_space<hbm>>, %arg8: memref<128xi32, #tpu.memory_space<vmem>>, %arg9: memref<128xi32, #tpu.memory_space<vmem>>, %arg10: memref<128xi32, #tpu.memory_space<vmem>>, %arg11: memref<128xi32, #tpu.memory_space<vmem>>, %arg12: memref<128x128xf32, #tpu.memory_space<vmem>>, %arg13: memref<128x128xf32, #tpu.memory_space<vmem>>, %arg14: memref<!tpu.dma_semaphore, #tpu.memory_space<semaphore_mem>>, %arg15: memref<!tpu.dma_semaphore, #tpu.memory_space<semaphore_mem>>, %arg16: memref<!tpu.dma_semaphore, #tpu.memory_space<semaphore_mem>>, %arg17: memref<10240x128xf32, #tpu.memory_space<vmem_shared>>, %arg18: memref<10240xf32, #tpu.memory_space<vmem>>) attributes {dimension_semantics = [#tpu.dimension_semantics<core_parallel>, #tpu.dimension_semantics<subcore_parallel>], iteration_bounds = array<i64: 2, 16>, scalar_prefetch = 0 : i64, scratch_operands = 11 : i64, tpu.core_type = #tpu.core_type<sc_vector_subcore>, window_params = [{transform_indices = #map}, {transform_indices = #map}, {transform_indices = #map}, {transform_indices = #map}, {transform_indices = #map1}, {transform_indices = #map}]} {
    %mul3A = arith.constant 16 : i32
    %mul3A_0 = arith.muli %arg0, %mul3A : i32
    %add3A = arith.addi %mul3A_0, %arg1 : i32
    %mul3A_1 = arith.constant 640 : i32
    %mul3A_2 = arith.muli %arg1, %mul3A_1 : i32
    "tpu.region"() ({
      %run_scoped3A = tpu.sem_alloc : memref<!tpu.dma_semaphore, #tpu.memory_space<semaphore_mem>>
      %dma_start3A = arith.constant 0 : i32
      %dma_start3A_14 = tpu.memref_slice %arg17[%mul3A_2, %dma_start3A] : memref<10240x128xf32, #tpu.memory_space<vmem_shared>> -> memref<640x128xf32, #tpu.memory_space<vmem_shared>>
      %dma_start3A_15 = arith.constant 0 : i32
      %dma_start3A_16 = tpu.memref_slice %arg5[%mul3A_2, %dma_start3A_15] : memref<10240x128xf32, #tpu.memory_space<hbm>> -> memref<640x128xf32, #tpu.memory_space<hbm>>
      tpu.enqueue_dma source(%dma_start3A_16 : memref<640x128xf32, #tpu.memory_space<hbm>>) target(%dma_start3A_14 : memref<640x128xf32, #tpu.memory_space<vmem_shared>>) target_semaphore(%run_scoped3A : memref<!tpu.dma_semaphore, #tpu.memory_space<semaphore_mem>>)
      %dma_wait3A = arith.constant 0 : i32
      %dma_wait3A_17 = tpu.memref_slice %arg17[%mul3A_2, %dma_wait3A] : memref<10240x128xf32, #tpu.memory_space<vmem_shared>> -> memref<640x128xf32, #tpu.memory_space<vmem_shared>>
      %dma_wait3A_18 = arith.constant 0 : i32
      %dma_wait3A_19 = tpu.memref_slice %arg5[%mul3A_2, %dma_wait3A_18] : memref<10240x128xf32, #tpu.memory_space<hbm>> -> memref<640x128xf32, #tpu.memory_space<hbm>>
      tpu.wait_dma2 semaphore(%run_scoped3A : memref<!tpu.dma_semaphore, #tpu.memory_space<semaphore_mem>>) src(%dma_wait3A_19 : memref<640x128xf32, #tpu.memory_space<hbm>>) dst(%dma_wait3A_17 : memref<640x128xf32, #tpu.memory_space<vmem_shared>>)
      tpu.yield
    }) : () -> ()
    %scan3A = arith.constant 0 : i32
    %scan3A_3 = arith.constant 640 : i32
    %scan3A_4 = arith.addi %scan3A, %scan3A_3 : i32
    %scan3A_5 = arith.constant 1 : i32
    scf.for %scan3A_14 = %scan3A to %scan3A_4 step %scan3A_5  : i32 {
      %mul3A_15 = arith.constant 16 : i32
      %mul3A_16 = arith.muli %scan3A_14, %mul3A_15 : i32
      %add3A_17 = arith.constant 0 : i32
      %add3A_18 = arith.addi %add3A_17, %mul3A_16 : i32
      %broadcast_in_dim3A_19 = arith.constant 0.000000e+00 : f32
      %broadcast_in_dim3A_20 = vector.broadcast %broadcast_in_dim3A_19 : f32 to vector<16xf32>
      %swap3A = arith.index_cast %add3A_18 : i32 to index
      %swap3A_21 = tpu.vector_load %arg18[%swap3A] {strides = array<i32>} : memref<10240xf32, #tpu.memory_space<vmem>>, vector<16xf32>,
      tpu.vector_store %arg18[%swap3A], %broadcast_in_dim3A_20 {strides = array<i32>} : memref<10240xf32, #tpu.memory_space<vmem>>, vector<16xf32>,
    }
    %scan3A_6 = arith.constant 640 : i32
    %barrier3A = arith.constant 0 : index
    tpu.barrier barrier_id(%barrier3A)
    %broadcast_in_dim3A = arith.constant 1.000000e+00 : f32
    %broadcast_in_dim3A_7 = vector.broadcast %broadcast_in_dim3A : f32 to vector<16xf32>
    %scan3A_8 = arith.constant 0 : i32
    %scan3A_9 = arith.constant 40 : i32
    %scan3A_10 = arith.addi %scan3A_8, %scan3A_9 : i32
    %scan3A_11 = arith.constant 1 : i32
    scf.for %scan3A_14 = %scan3A_8 to %scan3A_10 step %scan3A_11  : i32 {
      %mul3A_15 = arith.constant 2 : i32
      %mul3A_16 = arith.muli %scan3A_14, %mul3A_15 : i32
      %add3A_17 = arith.constant 0 : i32
      %add3A_18 = arith.addi %add3A_17, %mul3A_16 : i32
      %mul3A_19 = arith.constant 80 : i32
      %mul3A_20 = arith.muli %add3A, %mul3A_19 : i32
      %add3A_21 = arith.addi %mul3A_20, %add3A_18 : i32
      "tpu.region"() ({
        %run_scoped3A = tpu.sem_alloc : memref<!tpu.dma_semaphore, #tpu.memory_space<semaphore_mem>>
        %dma_start3A_46 = arith.constant 0 : i32
        %dma_start3A_47 = tpu.memref_slice %arg3[%add3A_21, %dma_start3A_46] : memref<2560x128xi32, #tpu.memory_space<hbm>> -> memref<1x128xi32, #tpu.memory_space<hbm>>
        %dma_start3A_48 = tpu.memref_squeeze %dma_start3A_47 : memref<1x128xi32, #tpu.memory_space<hbm>> -> memref<128xi32, #tpu.memory_space<hbm>>
        %dma_start3A_49 = arith.constant 0 : i32
        %dma_start3A_50 = tpu.memref_slice %arg3[%add3A_21, %dma_start3A_49] : memref<2560x128xi32, #tpu.memory_space<hbm>> -> memref<1x128xi32, #tpu.memory_space<hbm>>
        %dma_start3A_51 = tpu.memref_squeeze %dma_start3A_50 : memref<1x128xi32, #tpu.memory_space<hbm>> -> memref<128xi32, #tpu.memory_space<hbm>>
        tpu.enqueue_dma source(%dma_start3A_51 : memref<128xi32, #tpu.memory_space<hbm>>) target(%arg8 : memref<128xi32, #tpu.memory_space<vmem>>) target_semaphore(%run_scoped3A : memref<!tpu.dma_semaphore, #tpu.memory_space<semaphore_mem>>)
        %dma_wait3A_52 = arith.constant 0 : i32
        %dma_wait3A_53 = tpu.memref_slice %arg3[%add3A_21, %dma_wait3A_52] : memref<2560x128xi32, #tpu.memory_space<hbm>> -> memref<1x128xi32, #tpu.memory_space<hbm>>
        %dma_wait3A_54 = tpu.memref_squeeze %dma_wait3A_53 : memref<1x128xi32, #tpu.memory_space<hbm>> -> memref<128xi32, #tpu.memory_space<hbm>>
        %dma_wait3A_55 = arith.constant 0 : i32
        %dma_wait3A_56 = tpu.memref_slice %arg3[%add3A_21, %dma_wait3A_55] : memref<2560x128xi32, #tpu.memory_space<hbm>> -> memref<1x128xi32, #tpu.memory_space<hbm>>
        %dma_wait3A_57 = tpu.memref_squeeze %dma_wait3A_56 : memref<1x128xi32, #tpu.memory_space<hbm>> -> memref<128xi32, #tpu.memory_space<hbm>>
        tpu.wait_dma2 semaphore(%run_scoped3A : memref<!tpu.dma_semaphore, #tpu.memory_space<semaphore_mem>>) src(%dma_wait3A_57 : memref<128xi32, #tpu.memory_space<hbm>>) dst(%arg8 : memref<128xi32, #tpu.memory_space<vmem>>)
        tpu.yield
      }) : () -> ()
      "tpu.region"() ({
        %run_scoped3A = tpu.sem_alloc : memref<!tpu.dma_semaphore, #tpu.memory_space<semaphore_mem>>
        %dma_start3A_46 = arith.constant 0 : i32
        %dma_start3A_47 = tpu.memref_slice %arg4[%add3A_21, %dma_start3A_46] : memref<2560x128xi32, #tpu.memory_space<hbm>> -> memref<1x128xi32, #tpu.memory_space<hbm>>
        %dma_start3A_48 = tpu.memref_squeeze %dma_start3A_47 : memref<1x128xi32, #tpu.memory_space<hbm>> -> memref<128xi32, #tpu.memory_space<hbm>>
        %dma_start3A_49 = arith.constant 0 : i32
        %dma_start3A_50 = tpu.memref_slice %arg4[%add3A_21, %dma_start3A_49] : memref<2560x128xi32, #tpu.memory_space<hbm>> -> memref<1x128xi32, #tpu.memory_space<hbm>>
        %dma_start3A_51 = tpu.memref_squeeze %dma_start3A_50 : memref<1x128xi32, #tpu.memory_space<hbm>> -> memref<128xi32, #tpu.memory_space<hbm>>
        tpu.enqueue_dma source(%dma_start3A_51 : memref<128xi32, #tpu.memory_space<hbm>>) target(%arg9 : memref<128xi32, #tpu.memory_space<vmem>>) target_semaphore(%run_scoped3A : memref<!tpu.dma_semaphore, #tpu.memory_space<semaphore_mem>>)
        %dma_wait3A_52 = arith.constant 0 : i32
        %dma_wait3A_53 = tpu.memref_slice %arg4[%add3A_21, %dma_wait3A_52] : memref<2560x128xi32, #tpu.memory_space<hbm>> -> memref<1x128xi32, #tpu.memory_space<hbm>>
        %dma_wait3A_54 = tpu.memref_squeeze %dma_wait3A_53 : memref<1x128xi32, #tpu.memory_space<hbm>> -> memref<128xi32, #tpu.memory_space<hbm>>
        %dma_wait3A_55 = arith.constant 0 : i32
        %dma_wait3A_56 = tpu.memref_slice %arg4[%add3A_21, %dma_wait3A_55] : memref<2560x128xi32, #tpu.memory_space<hbm>> -> memref<1x128xi32, #tpu.memory_space<hbm>>
        %dma_wait3A_57 = tpu.memref_squeeze %dma_wait3A_56 : memref<1x128xi32, #tpu.memory_space<hbm>> -> memref<128xi32, #tpu.memory_space<hbm>>
        tpu.wait_dma2 semaphore(%run_scoped3A : memref<!tpu.dma_semaphore, #tpu.memory_space<semaphore_mem>>) src(%dma_wait3A_57 : memref<128xi32, #tpu.memory_space<hbm>>) dst(%arg9 : memref<128xi32, #tpu.memory_space<vmem>>)
        tpu.yield
      }) : () -> ()
      %dma_start3A = arith.constant 0 : i32
      %dma_start3A_22 = arith.constant 0 : i32
      %dma_start3A_23 = tpu.memref_slice %arg2[%dma_start3A, %dma_start3A_22] : memref<10240x128xf32, #tpu.memory_space<hbm>> -> memref<10240x128xf32, #tpu.memory_space<hbm>>
      tpu.enqueue_indirect_dma source(%dma_start3A_23 : memref<10240x128xf32, #tpu.memory_space<hbm>>) target(%arg12 : memref<128x128xf32, #tpu.memory_space<vmem>>) offsets(%arg8 : memref<128xi32, #tpu.memory_space<vmem>>) semaphore(%arg14 : memref<!tpu.dma_semaphore, #tpu.memory_space<semaphore_mem>>)
      %add3A_24 = arith.constant 1 : i32
      %add3A_25 = arith.addi %add3A_21, %add3A_24 : i32
      "tpu.region"() ({
        %run_scoped3A = tpu.sem_alloc : memref<!tpu.dma_semaphore, #tpu.memory_space<semaphore_mem>>
        %dma_start3A_46 = arith.constant 0 : i32
        %dma_start3A_47 = tpu.memref_slice %arg3[%add3A_25, %dma_start3A_46] : memref<2560x128xi32, #tpu.memory_space<hbm>> -> memref<1x128xi32, #tpu.memory_space<hbm>>
        %dma_start3A_48 = tpu.memref_squeeze %dma_start3A_47 : memref<1x128xi32, #tpu.memory_space<hbm>> -> memref<128xi32, #tpu.memory_space<hbm>>
        %dma_start3A_49 = arith.constant 0 : i32
        %dma_start3A_50 = tpu.memref_slice %arg3[%add3A_25, %dma_start3A_49] : memref<2560x128xi32, #tpu.memory_space<hbm>> -> memref<1x128xi32, #tpu.memory_space<hbm>>
        %dma_start3A_51 = tpu.memref_squeeze %dma_start3A_50 : memref<1x128xi32, #tpu.memory_space<hbm>> -> memref<128xi32, #tpu.memory_space<hbm>>
        tpu.enqueue_dma source(%dma_start3A_51 : memref<128xi32, #tpu.memory_space<hbm>>) target(%arg10 : memref<128xi32, #tpu.memory_space<vmem>>) target_semaphore(%run_scoped3A : memref<!tpu.dma_semaphore, #tpu.memory_space<semaphore_mem>>)
        %dma_wait3A_52 = arith.constant 0 : i32
        %dma_wait3A_53 = tpu.memref_slice %arg3[%add3A_25, %dma_wait3A_52] : memref<2560x128xi32, #tpu.memory_space<hbm>> -> memref<1x128xi32, #tpu.memory_space<hbm>>
        %dma_wait3A_54 = tpu.memref_squeeze %dma_wait3A_53 : memref<1x128xi32, #tpu.memory_space<hbm>> -> memref<128xi32, #tpu.memory_space<hbm>>
        %dma_wait3A_55 = arith.constant 0 : i32
        %dma_wait3A_56 = tpu.memref_slice %arg3[%add3A_25, %dma_wait3A_55] : memref<2560x128xi32, #tpu.memory_space<hbm>> -> memref<1x128xi32, #tpu.memory_space<hbm>>
        %dma_wait3A_57 = tpu.memref_squeeze %dma_wait3A_56 : memref<1x128xi32, #tpu.memory_space<hbm>> -> memref<128xi32, #tpu.memory_space<hbm>>
        tpu.wait_dma2 semaphore(%run_scoped3A : memref<!tpu.dma_semaphore, #tpu.memory_space<semaphore_mem>>) src(%dma_wait3A_57 : memref<128xi32, #tpu.memory_space<hbm>>) dst(%arg10 : memref<128xi32, #tpu.memory_space<vmem>>)
        tpu.yield
      }) : () -> ()
      %add3A_26 = arith.constant 1 : i32
      %add3A_27 = arith.addi %add3A_21, %add3A_26 : i32
      "tpu.region"() ({
        %run_scoped3A = tpu.sem_alloc : memref<!tpu.dma_semaphore, #tpu.memory_space<semaphore_mem>>
        %dma_start3A_46 = arith.constant 0 : i32
        %dma_start3A_47 = tpu.memref_slice %arg4[%add3A_27, %dma_start3A_46] : memref<2560x128xi32, #tpu.memory_space<hbm>> -> memref<1x128xi32, #tpu.memory_space<hbm>>
        %dma_start3A_48 = tpu.memref_squeeze %dma_start3A_47 : memref<1x128xi32, #tpu.memory_space<hbm>> -> memref<128xi32, #tpu.memory_space<hbm>>
        %dma_start3A_49 = arith.constant 0 : i32
        %dma_start3A_50 = tpu.memref_slice %arg4[%add3A_27, %dma_start3A_49] : memref<2560x128xi32, #tpu.memory_space<hbm>> -> memref<1x128xi32, #tpu.memory_space<hbm>>
        %dma_start3A_51 = tpu.memref_squeeze %dma_start3A_50 : memref<1x128xi32, #tpu.memory_space<hbm>> -> memref<128xi32, #tpu.memory_space<hbm>>
        tpu.enqueue_dma source(%dma_start3A_51 : memref<128xi32, #tpu.memory_space<hbm>>) target(%arg11 : memref<128xi32, #tpu.memory_space<vmem>>) target_semaphore(%run_scoped3A : memref<!tpu.dma_semaphore, #tpu.memory_space<semaphore_mem>>)
        %dma_wait3A_52 = arith.constant 0 : i32
        %dma_wait3A_53 = tpu.memref_slice %arg4[%add3A_27, %dma_wait3A_52] : memref<2560x128xi32, #tpu.memory_space<hbm>> -> memref<1x128xi32, #tpu.memory_space<hbm>>
        %dma_wait3A_54 = tpu.memref_squeeze %dma_wait3A_53 : memref<1x128xi32, #tpu.memory_space<hbm>> -> memref<128xi32, #tpu.memory_space<hbm>>
        %dma_wait3A_55 = arith.constant 0 : i32
        %dma_wait3A_56 = tpu.memref_slice %arg4[%add3A_27, %dma_wait3A_55] : memref<2560x128xi32, #tpu.memory_space<hbm>> -> memref<1x128xi32, #tpu.memory_space<hbm>>
        %dma_wait3A_57 = tpu.memref_squeeze %dma_wait3A_56 : memref<1x128xi32, #tpu.memory_space<hbm>> -> memref<128xi32, #tpu.memory_space<hbm>>
        tpu.wait_dma2 semaphore(%run_scoped3A : memref<!tpu.dma_semaphore, #tpu.memory_space<semaphore_mem>>) src(%dma_wait3A_57 : memref<128xi32, #tpu.memory_space<hbm>>) dst(%arg11 : memref<128xi32, #tpu.memory_space<vmem>>)
        tpu.yield
      }) : () -> ()
      %dma_start3A_28 = arith.constant 0 : i32
      %dma_start3A_29 = arith.constant 0 : i32
      %dma_start3A_30 = tpu.memref_slice %arg2[%dma_start3A_28, %dma_start3A_29] : memref<10240x128xf32, #tpu.memory_space<hbm>> -> memref<10240x128xf32, #tpu.memory_space<hbm>>
      tpu.enqueue_indirect_dma source(%dma_start3A_30 : memref<10240x128xf32, #tpu.memory_space<hbm>>) target(%arg13 : memref<128x128xf32, #tpu.memory_space<vmem>>) offsets(%arg10 : memref<128xi32, #tpu.memory_space<vmem>>) semaphore(%arg15 : memref<!tpu.dma_semaphore, #tpu.memory_space<semaphore_mem>>)
      %scan3A_31 = arith.constant 0 : i32
      %scan3A_32 = arith.constant 8 : i32
      %scan3A_33 = arith.addi %scan3A_31, %scan3A_32 : i32
      %scan3A_34 = arith.constant 1 : i32
      scf.for %scan3A_46 = %scan3A_31 to %scan3A_33 step %scan3A_34  : i32 {
        %mul3A_47 = arith.constant 16 : i32
        %mul3A_48 = arith.muli %scan3A_46, %mul3A_47 : i32
        %add3A_49 = arith.constant 0 : i32
        %add3A_50 = arith.addi %add3A_49, %mul3A_48 : i32
        %get3A = arith.index_cast %add3A_50 : i32 to index
        %get3A_51 = tpu.vector_load %arg9[%get3A] {strides = array<i32>} : memref<128xi32, #tpu.memory_space<vmem>>, vector<16xi32>,
        tpu.vector_store_idx %arg18[%get3A_51], %broadcast_in_dim3A_7 {add = true} : memref<10240xf32, #tpu.memory_space<vmem>>[vector<16xi32>], vector<16xf32>,
      }
      %scan3A_35 = arith.constant 8 : i32
      %dma_wait3A = arith.constant 0 : i32
      %dma_wait3A_36 = arith.constant 0 : i32
      %dma_wait3A_37 = tpu.memref_slice %arg2[%dma_wait3A, %dma_wait3A_36] : memref<10240x128xf32, #tpu.memory_space<hbm>> -> memref<10240x128xf32, #tpu.memory_space<hbm>>
      tpu.wait_indirect_dma semaphore(%arg14 : memref<!tpu.dma_semaphore, #tpu.memory_space<semaphore_mem>>) src(%dma_wait3A_37 : memref<10240x128xf32, #tpu.memory_space<hbm>>) dst(%arg12 : memref<128x128xf32, #tpu.memory_space<vmem>>)
      "tpu.region"() ({
        %run_scoped3A = tpu.sem_alloc : memref<!tpu.dma_semaphore, #tpu.memory_space<semaphore_mem>>
        %dma_start3A_46 = arith.constant 0 : i32
        %dma_start3A_47 = arith.constant 0 : i32
        %dma_start3A_48 = tpu.memref_slice %arg17[%dma_start3A_46, %dma_start3A_47] : memref<10240x128xf32, #tpu.memory_space<vmem_shared>> -> memref<10240x128xf32, #tpu.memory_space<vmem_shared>>
        tpu.enqueue_indirect_dma source(%arg12 : memref<128x128xf32, #tpu.memory_space<vmem>>) target(%dma_start3A_48 : memref<10240x128xf32, #tpu.memory_space<vmem_shared>>) offsets(%arg9 : memref<128xi32, #tpu.memory_space<vmem>>) semaphore(%run_scoped3A : memref<!tpu.dma_semaphore, #tpu.memory_space<semaphore_mem>>) {add = true}
        %dma_wait3A_49 = arith.constant 0 : i32
        %dma_wait3A_50 = arith.constant 0 : i32
        %dma_wait3A_51 = tpu.memref_slice %arg17[%dma_wait3A_49, %dma_wait3A_50] : memref<10240x128xf32, #tpu.memory_space<vmem_shared>> -> memref<10240x128xf32, #tpu.memory_space<vmem_shared>>
        tpu.wait_indirect_dma semaphore(%run_scoped3A : memref<!tpu.dma_semaphore, #tpu.memory_space<semaphore_mem>>) src(%arg12 : memref<128x128xf32, #tpu.memory_space<vmem>>) dst(%dma_wait3A_51 : memref<10240x128xf32, #tpu.memory_space<vmem_shared>>)
        tpu.yield
      }) : () -> ()
      %scan3A_38 = arith.constant 0 : i32
      %scan3A_39 = arith.constant 8 : i32
      %scan3A_40 = arith.addi %scan3A_38, %scan3A_39 : i32
      %scan3A_41 = arith.constant 1 : i32
      scf.for %scan3A_46 = %scan3A_38 to %scan3A_40 step %scan3A_41  : i32 {
        %mul3A_47 = arith.constant 16 : i32
        %mul3A_48 = arith.muli %scan3A_46, %mul3A_47 : i32
        %add3A_49 = arith.constant 0 : i32
        %add3A_50 = arith.addi %add3A_49, %mul3A_48 : i32
        %get3A = arith.index_cast %add3A_50 : i32 to index
        %get3A_51 = tpu.vector_load %arg11[%get3A] {strides = array<i32>} : memref<128xi32, #tpu.memory_space<vmem>>, vector<16xi32>,
        tpu.vector_store_idx %arg18[%get3A_51], %broadcast_in_dim3A_7 {add = true} : memref<10240xf32, #tpu.memory_space<vmem>>[vector<16xi32>], vector<16xf32>,
      }
      %scan3A_42 = arith.constant 8 : i32
      %dma_wait3A_43 = arith.constant 0 : i32
      %dma_wait3A_44 = arith.constant 0 : i32
      %dma_wait3A_45 = tpu.memref_slice %arg2[%dma_wait3A_43, %dma_wait3A_44] : memref<10240x128xf32, #tpu.memory_space<hbm>> -> memref<10240x128xf32, #tpu.memory_space<hbm>>
      tpu.wait_indirect_dma semaphore(%arg15 : memref<!tpu.dma_semaphore, #tpu.memory_space<semaphore_mem>>) src(%dma_wait3A_45 : memref<10240x128xf32, #tpu.memory_space<hbm>>) dst(%arg13 : memref<128x128xf32, #tpu.memory_space<vmem>>)
      "tpu.region"() ({
        %run_scoped3A = tpu.sem_alloc : memref<!tpu.dma_semaphore, #tpu.memory_space<semaphore_mem>>
        %dma_start3A_46 = arith.constant 0 : i32
        %dma_start3A_47 = arith.constant 0 : i32
        %dma_start3A_48 = tpu.memref_slice %arg17[%dma_start3A_46, %dma_start3A_47] : memref<10240x128xf32, #tpu.memory_space<vmem_shared>> -> memref<10240x128xf32, #tpu.memory_space<vmem_shared>>
        tpu.enqueue_indirect_dma source(%arg13 : memref<128x128xf32, #tpu.memory_space<vmem>>) target(%dma_start3A_48 : memref<10240x128xf32, #tpu.memory_space<vmem_shared>>) offsets(%arg11 : memref<128xi32, #tpu.memory_space<vmem>>) semaphore(%run_scoped3A : memref<!tpu.dma_semaphore, #tpu.memory_space<semaphore_mem>>) {add = true}
        %dma_wait3A_49 = arith.constant 0 : i32
        %dma_wait3A_50 = arith.constant 0 : i32
        %dma_wait3A_51 = tpu.memref_slice %arg17[%dma_wait3A_49, %dma_wait3A_50] : memref<10240x128xf32, #tpu.memory_space<vmem_shared>> -> memref<10240x128xf32, #tpu.memory_space<vmem_shared>>
        tpu.wait_indirect_dma semaphore(%run_scoped3A : memref<!tpu.dma_semaphore, #tpu.memory_space<semaphore_mem>>) src(%arg13 : memref<128x128xf32, #tpu.memory_space<vmem>>) dst(%dma_wait3A_51 : memref<10240x128xf32, #tpu.memory_space<vmem_shared>>)
        tpu.yield
      }) : () -> ()
    }
    %scan3A_12 = arith.constant 40 : i32
    %barrier3A_13 = arith.constant 0 : index
    tpu.barrier barrier_id(%barrier3A_13)
    "tpu.region"() ({
      %run_scoped3A = tpu.sem_alloc : memref<!tpu.dma_semaphore, #tpu.memory_space<semaphore_mem>>
      %dma_start3A = arith.constant 0 : i32
      %dma_start3A_14 = tpu.memref_slice %arg6[%arg0, %mul3A_2, %dma_start3A] : memref<2x10240x128xf32, #tpu.memory_space<hbm>> -> memref<1x640x128xf32, #tpu.memory_space<hbm>>
      %dma_start3A_15 = tpu.memref_squeeze %dma_start3A_14 : memref<1x640x128xf32, #tpu.memory_space<hbm>> -> memref<640x128xf32, #tpu.memory_space<hbm>>
      %dma_start3A_16 = arith.constant 0 : i32
      %dma_start3A_17 = tpu.memref_slice %arg17[%mul3A_2, %dma_start3A_16] : memref<10240x128xf32, #tpu.memory_space<vmem_shared>> -> memref<640x128xf32, #tpu.memory_space<vmem_shared>>
      tpu.enqueue_dma source(%dma_start3A_17 : memref<640x128xf32, #tpu.memory_space<vmem_shared>>) target(%dma_start3A_15 : memref<640x128xf32, #tpu.memory_space<hbm>>) target_semaphore(%run_scoped3A : memref<!tpu.dma_semaphore, #tpu.memory_space<semaphore_mem>>)
      %dma_wait3A = arith.constant 0 : i32
      %dma_wait3A_18 = tpu.memref_slice %arg6[%arg0, %mul3A_2, %dma_wait3A] : memref<2x10240x128xf32, #tpu.memory_space<hbm>> -> memref<1x640x128xf32, #tpu.memory_space<hbm>>
      %dma_wait3A_19 = tpu.memref_squeeze %dma_wait3A_18 : memref<1x640x128xf32, #tpu.memory_space<hbm>> -> memref<640x128xf32, #tpu.memory_space<hbm>>
      %dma_wait3A_20 = arith.constant 0 : i32
      %dma_wait3A_21 = tpu.memref_slice %arg17[%mul3A_2, %dma_wait3A_20] : memref<10240x128xf32, #tpu.memory_space<vmem_shared>> -> memref<640x128xf32, #tpu.memory_space<vmem_shared>>
      tpu.wait_dma2 semaphore(%run_scoped3A : memref<!tpu.dma_semaphore, #tpu.memory_space<semaphore_mem>>) src(%dma_wait3A_21 : memref<640x128xf32, #tpu.memory_space<vmem_shared>>) dst(%dma_wait3A_19 : memref<640x128xf32, #tpu.memory_space<hbm>>)
      tpu.yield
    }) : () -> ()
    "tpu.region"() ({
      %run_scoped3A = tpu.sem_alloc : memref<!tpu.dma_semaphore, #tpu.memory_space<semaphore_mem>>
      %dma_start3A = arith.constant 0 : i32
      %dma_start3A_14 = tpu.memref_slice %arg7[%add3A, %dma_start3A] : memref<32x10240xf32, #tpu.memory_space<hbm>> -> memref<1x10240xf32, #tpu.memory_space<hbm>>
      %dma_start3A_15 = tpu.memref_squeeze %dma_start3A_14 : memref<1x10240xf32, #tpu.memory_space<hbm>> -> memref<10240xf32, #tpu.memory_space<hbm>>
      %dma_start3A_16 = arith.constant 0 : i32
      %dma_start3A_17 = tpu.memref_slice %arg7[%add3A, %dma_start3A_16] : memref<32x10240xf32, #tpu.memory_space<hbm>> -> memref<1x10240xf32, #tpu.memory_space<hbm>>
      %dma_start3A_18 = tpu.memref_squeeze %dma_start3A_17 : memref<1x10240xf32, #tpu.memory_space<hbm>> -> memref<10240xf32, #tpu.memory_space<hbm>>
      tpu.enqueue_dma source(%arg18 : memref<10240xf32, #tpu.memory_space<vmem>>) target(%dma_start3A_18 : memref<10240xf32, #tpu.memory_space<hbm>>) target_semaphore(%run_scoped3A : memref<!tpu.dma_semaphore, #tpu.memory_space<semaphore_mem>>)
      %dma_wait3A = arith.constant 0 : i32
      %dma_wait3A_19 = tpu.memref_slice %arg7[%add3A, %dma_wait3A] : memref<32x10240xf32, #tpu.memory_space<hbm>> -> memref<1x10240xf32, #tpu.memory_space<hbm>>
      %dma_wait3A_20 = tpu.memref_squeeze %dma_wait3A_19 : memref<1x10240xf32, #tpu.memory_space<hbm>> -> memref<10240xf32, #tpu.memory_space<hbm>>
      %dma_wait3A_21 = arith.constant 0 : i32
      %dma_wait3A_22 = tpu.memref_slice %arg7[%add3A, %dma_wait3A_21] : memref<32x10240xf32, #tpu.memory_space<hbm>> -> memref<1x10240xf32, #tpu.memory_space<hbm>>
      %dma_wait3A_23 = tpu.memref_squeeze %dma_wait3A_22 : memref<1x10240xf32, #tpu.memory_space<hbm>> -> memref<10240xf32, #tpu.memory_space<hbm>>
      tpu.wait_dma2 semaphore(%run_scoped3A : memref<!tpu.dma_semaphore, #tpu.memory_space<semaphore_mem>>) src(%arg18 : memref<10240xf32, #tpu.memory_space<vmem>>) dst(%dma_wait3A_23 : memref<10240xf32, #tpu.memory_space<hbm>>)
      tpu.yield
    }) : () -> ()
    return
  }
}

#map = affine_map<(d0, d1) -> (0, 0)>
#map1 = affine_map<(d0, d1) -> (0, 0, 0)>
module attributes {stable_mosaic.version = 14 : i64} {
  func.func @body_nc(%arg0: i32, %arg1: i32, %arg2: memref<10240x128xf32, #tpu.memory_space<hbm>>, %arg3: memref<2560x128xi32, #tpu.memory_space<hbm>>, %arg4: memref<2560x128xi32, #tpu.memory_space<hbm>>, %arg5: memref<10240x128xf32, #tpu.memory_space<hbm>>, %arg6: memref<2x10240x128xf32, #tpu.memory_space<hbm>>, %arg7: memref<128xi32, #tpu.memory_space<vmem>>, %arg8: memref<128xi32, #tpu.memory_space<vmem>>, %arg9: memref<128xi32, #tpu.memory_space<vmem>>, %arg10: memref<128xi32, #tpu.memory_space<vmem>>, %arg11: memref<128x128xf32, #tpu.memory_space<vmem>>, %arg12: memref<128x128xf32, #tpu.memory_space<vmem>>, %arg13: memref<!tpu.dma_semaphore, #tpu.memory_space<semaphore_mem>>, %arg14: memref<!tpu.dma_semaphore, #tpu.memory_space<semaphore_mem>>, %arg15: memref<!tpu.dma_semaphore, #tpu.memory_space<semaphore_mem>>, %arg16: memref<10240x128xf32, #tpu.memory_space<vmem_shared>>) attributes {dimension_semantics = [#tpu.dimension_semantics<core_parallel>, #tpu.dimension_semantics<subcore_parallel>], iteration_bounds = array<i64: 2, 16>, scalar_prefetch = 0 : i64, scratch_operands = 10 : i64, tpu.core_type = #tpu.core_type<sc_vector_subcore>, window_params = [{transform_indices = #map}, {transform_indices = #map}, {transform_indices = #map}, {transform_indices = #map}, {transform_indices = #map1}]} {
    %mul3A = arith.constant 16 : i32
    %mul3A_0 = arith.muli %arg0, %mul3A : i32
    %add3A = arith.addi %mul3A_0, %arg1 : i32
    %mul3A_1 = arith.constant 640 : i32
    %mul3A_2 = arith.muli %arg1, %mul3A_1 : i32
    "tpu.region"() ({
      %run_scoped3A = tpu.sem_alloc : memref<!tpu.dma_semaphore, #tpu.memory_space<semaphore_mem>>
      %dma_start3A = arith.constant 0 : i32
      %dma_start3A_9 = tpu.memref_slice %arg16[%mul3A_2, %dma_start3A] : memref<10240x128xf32, #tpu.memory_space<vmem_shared>> -> memref<640x128xf32, #tpu.memory_space<vmem_shared>>
      %dma_start3A_10 = arith.constant 0 : i32
      %dma_start3A_11 = tpu.memref_slice %arg5[%mul3A_2, %dma_start3A_10] : memref<10240x128xf32, #tpu.memory_space<hbm>> -> memref<640x128xf32, #tpu.memory_space<hbm>>
      tpu.enqueue_dma source(%dma_start3A_11 : memref<640x128xf32, #tpu.memory_space<hbm>>) target(%dma_start3A_9 : memref<640x128xf32, #tpu.memory_space<vmem_shared>>) target_semaphore(%run_scoped3A : memref<!tpu.dma_semaphore, #tpu.memory_space<semaphore_mem>>)
      %dma_wait3A = arith.constant 0 : i32
      %dma_wait3A_12 = tpu.memref_slice %arg16[%mul3A_2, %dma_wait3A] : memref<10240x128xf32, #tpu.memory_space<vmem_shared>> -> memref<640x128xf32, #tpu.memory_space<vmem_shared>>
      %dma_wait3A_13 = arith.constant 0 : i32
      %dma_wait3A_14 = tpu.memref_slice %arg5[%mul3A_2, %dma_wait3A_13] : memref<10240x128xf32, #tpu.memory_space<hbm>> -> memref<640x128xf32, #tpu.memory_space<hbm>>
      tpu.wait_dma2 semaphore(%run_scoped3A : memref<!tpu.dma_semaphore, #tpu.memory_space<semaphore_mem>>) src(%dma_wait3A_14 : memref<640x128xf32, #tpu.memory_space<hbm>>) dst(%dma_wait3A_12 : memref<640x128xf32, #tpu.memory_space<vmem_shared>>)
      tpu.yield
    }) : () -> ()
    %barrier3A = arith.constant 0 : index
    tpu.barrier barrier_id(%barrier3A)
    %broadcast_in_dim3A = arith.constant 1.000000e+00 : f32
    %broadcast_in_dim3A_3 = vector.broadcast %broadcast_in_dim3A : f32 to vector<16xf32>
    %scan3A = arith.constant 0 : i32
    %scan3A_4 = arith.constant 40 : i32
    %scan3A_5 = arith.addi %scan3A, %scan3A_4 : i32
    %scan3A_6 = arith.constant 1 : i32
    scf.for %scan3A_9 = %scan3A to %scan3A_5 step %scan3A_6  : i32 {
      %mul3A_10 = arith.constant 2 : i32
      %mul3A_11 = arith.muli %scan3A_9, %mul3A_10 : i32
      %add3A_12 = arith.constant 0 : i32
      %add3A_13 = arith.addi %add3A_12, %mul3A_11 : i32
      %mul3A_14 = arith.constant 80 : i32
      %mul3A_15 = arith.muli %add3A, %mul3A_14 : i32
      %add3A_16 = arith.addi %mul3A_15, %add3A_13 : i32
      "tpu.region"() ({
        %run_scoped3A = tpu.sem_alloc : memref<!tpu.dma_semaphore, #tpu.memory_space<semaphore_mem>>
        %dma_start3A_31 = arith.constant 0 : i32
        %dma_start3A_32 = tpu.memref_slice %arg3[%add3A_16, %dma_start3A_31] : memref<2560x128xi32, #tpu.memory_space<hbm>> -> memref<1x128xi32, #tpu.memory_space<hbm>>
        %dma_start3A_33 = tpu.memref_squeeze %dma_start3A_32 : memref<1x128xi32, #tpu.memory_space<hbm>> -> memref<128xi32, #tpu.memory_space<hbm>>
        %dma_start3A_34 = arith.constant 0 : i32
        %dma_start3A_35 = tpu.memref_slice %arg3[%add3A_16, %dma_start3A_34] : memref<2560x128xi32, #tpu.memory_space<hbm>> -> memref<1x128xi32, #tpu.memory_space<hbm>>
        %dma_start3A_36 = tpu.memref_squeeze %dma_start3A_35 : memref<1x128xi32, #tpu.memory_space<hbm>> -> memref<128xi32, #tpu.memory_space<hbm>>
        tpu.enqueue_dma source(%dma_start3A_36 : memref<128xi32, #tpu.memory_space<hbm>>) target(%arg7 : memref<128xi32, #tpu.memory_space<vmem>>) target_semaphore(%run_scoped3A : memref<!tpu.dma_semaphore, #tpu.memory_space<semaphore_mem>>)
        %dma_wait3A_37 = arith.constant 0 : i32
        %dma_wait3A_38 = tpu.memref_slice %arg3[%add3A_16, %dma_wait3A_37] : memref<2560x128xi32, #tpu.memory_space<hbm>> -> memref<1x128xi32, #tpu.memory_space<hbm>>
        %dma_wait3A_39 = tpu.memref_squeeze %dma_wait3A_38 : memref<1x128xi32, #tpu.memory_space<hbm>> -> memref<128xi32, #tpu.memory_space<hbm>>
        %dma_wait3A_40 = arith.constant 0 : i32
        %dma_wait3A_41 = tpu.memref_slice %arg3[%add3A_16, %dma_wait3A_40] : memref<2560x128xi32, #tpu.memory_space<hbm>> -> memref<1x128xi32, #tpu.memory_space<hbm>>
        %dma_wait3A_42 = tpu.memref_squeeze %dma_wait3A_41 : memref<1x128xi32, #tpu.memory_space<hbm>> -> memref<128xi32, #tpu.memory_space<hbm>>
        tpu.wait_dma2 semaphore(%run_scoped3A : memref<!tpu.dma_semaphore, #tpu.memory_space<semaphore_mem>>) src(%dma_wait3A_42 : memref<128xi32, #tpu.memory_space<hbm>>) dst(%arg7 : memref<128xi32, #tpu.memory_space<vmem>>)
        tpu.yield
      }) : () -> ()
      "tpu.region"() ({
        %run_scoped3A = tpu.sem_alloc : memref<!tpu.dma_semaphore, #tpu.memory_space<semaphore_mem>>
        %dma_start3A_31 = arith.constant 0 : i32
        %dma_start3A_32 = tpu.memref_slice %arg4[%add3A_16, %dma_start3A_31] : memref<2560x128xi32, #tpu.memory_space<hbm>> -> memref<1x128xi32, #tpu.memory_space<hbm>>
        %dma_start3A_33 = tpu.memref_squeeze %dma_start3A_32 : memref<1x128xi32, #tpu.memory_space<hbm>> -> memref<128xi32, #tpu.memory_space<hbm>>
        %dma_start3A_34 = arith.constant 0 : i32
        %dma_start3A_35 = tpu.memref_slice %arg4[%add3A_16, %dma_start3A_34] : memref<2560x128xi32, #tpu.memory_space<hbm>> -> memref<1x128xi32, #tpu.memory_space<hbm>>
        %dma_start3A_36 = tpu.memref_squeeze %dma_start3A_35 : memref<1x128xi32, #tpu.memory_space<hbm>> -> memref<128xi32, #tpu.memory_space<hbm>>
        tpu.enqueue_dma source(%dma_start3A_36 : memref<128xi32, #tpu.memory_space<hbm>>) target(%arg8 : memref<128xi32, #tpu.memory_space<vmem>>) target_semaphore(%run_scoped3A : memref<!tpu.dma_semaphore, #tpu.memory_space<semaphore_mem>>)
        %dma_wait3A_37 = arith.constant 0 : i32
        %dma_wait3A_38 = tpu.memref_slice %arg4[%add3A_16, %dma_wait3A_37] : memref<2560x128xi32, #tpu.memory_space<hbm>> -> memref<1x128xi32, #tpu.memory_space<hbm>>
        %dma_wait3A_39 = tpu.memref_squeeze %dma_wait3A_38 : memref<1x128xi32, #tpu.memory_space<hbm>> -> memref<128xi32, #tpu.memory_space<hbm>>
        %dma_wait3A_40 = arith.constant 0 : i32
        %dma_wait3A_41 = tpu.memref_slice %arg4[%add3A_16, %dma_wait3A_40] : memref<2560x128xi32, #tpu.memory_space<hbm>> -> memref<1x128xi32, #tpu.memory_space<hbm>>
        %dma_wait3A_42 = tpu.memref_squeeze %dma_wait3A_41 : memref<1x128xi32, #tpu.memory_space<hbm>> -> memref<128xi32, #tpu.memory_space<hbm>>
        tpu.wait_dma2 semaphore(%run_scoped3A : memref<!tpu.dma_semaphore, #tpu.memory_space<semaphore_mem>>) src(%dma_wait3A_42 : memref<128xi32, #tpu.memory_space<hbm>>) dst(%arg8 : memref<128xi32, #tpu.memory_space<vmem>>)
        tpu.yield
      }) : () -> ()
      %dma_start3A = arith.constant 0 : i32
      %dma_start3A_17 = arith.constant 0 : i32
      %dma_start3A_18 = tpu.memref_slice %arg2[%dma_start3A, %dma_start3A_17] : memref<10240x128xf32, #tpu.memory_space<hbm>> -> memref<10240x128xf32, #tpu.memory_space<hbm>>
      tpu.enqueue_indirect_dma source(%dma_start3A_18 : memref<10240x128xf32, #tpu.memory_space<hbm>>) target(%arg11 : memref<128x128xf32, #tpu.memory_space<vmem>>) offsets(%arg7 : memref<128xi32, #tpu.memory_space<vmem>>) semaphore(%arg13 : memref<!tpu.dma_semaphore, #tpu.memory_space<semaphore_mem>>)
      %add3A_19 = arith.constant 1 : i32
      %add3A_20 = arith.addi %add3A_16, %add3A_19 : i32
      "tpu.region"() ({
        %run_scoped3A = tpu.sem_alloc : memref<!tpu.dma_semaphore, #tpu.memory_space<semaphore_mem>>
        %dma_start3A_31 = arith.constant 0 : i32
        %dma_start3A_32 = tpu.memref_slice %arg3[%add3A_20, %dma_start3A_31] : memref<2560x128xi32, #tpu.memory_space<hbm>> -> memref<1x128xi32, #tpu.memory_space<hbm>>
        %dma_start3A_33 = tpu.memref_squeeze %dma_start3A_32 : memref<1x128xi32, #tpu.memory_space<hbm>> -> memref<128xi32, #tpu.memory_space<hbm>>
        %dma_start3A_34 = arith.constant 0 : i32
        %dma_start3A_35 = tpu.memref_slice %arg3[%add3A_20, %dma_start3A_34] : memref<2560x128xi32, #tpu.memory_space<hbm>> -> memref<1x128xi32, #tpu.memory_space<hbm>>
        %dma_start3A_36 = tpu.memref_squeeze %dma_start3A_35 : memref<1x128xi32, #tpu.memory_space<hbm>> -> memref<128xi32, #tpu.memory_space<hbm>>
        tpu.enqueue_dma source(%dma_start3A_36 : memref<128xi32, #tpu.memory_space<hbm>>) target(%arg9 : memref<128xi32, #tpu.memory_space<vmem>>) target_semaphore(%run_scoped3A : memref<!tpu.dma_semaphore, #tpu.memory_space<semaphore_mem>>)
        %dma_wait3A_37 = arith.constant 0 : i32
        %dma_wait3A_38 = tpu.memref_slice %arg3[%add3A_20, %dma_wait3A_37] : memref<2560x128xi32, #tpu.memory_space<hbm>> -> memref<1x128xi32, #tpu.memory_space<hbm>>
        %dma_wait3A_39 = tpu.memref_squeeze %dma_wait3A_38 : memref<1x128xi32, #tpu.memory_space<hbm>> -> memref<128xi32, #tpu.memory_space<hbm>>
        %dma_wait3A_40 = arith.constant 0 : i32
        %dma_wait3A_41 = tpu.memref_slice %arg3[%add3A_20, %dma_wait3A_40] : memref<2560x128xi32, #tpu.memory_space<hbm>> -> memref<1x128xi32, #tpu.memory_space<hbm>>
        %dma_wait3A_42 = tpu.memref_squeeze %dma_wait3A_41 : memref<1x128xi32, #tpu.memory_space<hbm>> -> memref<128xi32, #tpu.memory_space<hbm>>
        tpu.wait_dma2 semaphore(%run_scoped3A : memref<!tpu.dma_semaphore, #tpu.memory_space<semaphore_mem>>) src(%dma_wait3A_42 : memref<128xi32, #tpu.memory_space<hbm>>) dst(%arg9 : memref<128xi32, #tpu.memory_space<vmem>>)
        tpu.yield
      }) : () -> ()
      %add3A_21 = arith.constant 1 : i32
      %add3A_22 = arith.addi %add3A_16, %add3A_21 : i32
      "tpu.region"() ({
        %run_scoped3A = tpu.sem_alloc : memref<!tpu.dma_semaphore, #tpu.memory_space<semaphore_mem>>
        %dma_start3A_31 = arith.constant 0 : i32
        %dma_start3A_32 = tpu.memref_slice %arg4[%add3A_22, %dma_start3A_31] : memref<2560x128xi32, #tpu.memory_space<hbm>> -> memref<1x128xi32, #tpu.memory_space<hbm>>
        %dma_start3A_33 = tpu.memref_squeeze %dma_start3A_32 : memref<1x128xi32, #tpu.memory_space<hbm>> -> memref<128xi32, #tpu.memory_space<hbm>>
        %dma_start3A_34 = arith.constant 0 : i32
        %dma_start3A_35 = tpu.memref_slice %arg4[%add3A_22, %dma_start3A_34] : memref<2560x128xi32, #tpu.memory_space<hbm>> -> memref<1x128xi32, #tpu.memory_space<hbm>>
        %dma_start3A_36 = tpu.memref_squeeze %dma_start3A_35 : memref<1x128xi32, #tpu.memory_space<hbm>> -> memref<128xi32, #tpu.memory_space<hbm>>
        tpu.enqueue_dma source(%dma_start3A_36 : memref<128xi32, #tpu.memory_space<hbm>>) target(%arg10 : memref<128xi32, #tpu.memory_space<vmem>>) target_semaphore(%run_scoped3A : memref<!tpu.dma_semaphore, #tpu.memory_space<semaphore_mem>>)
        %dma_wait3A_37 = arith.constant 0 : i32
        %dma_wait3A_38 = tpu.memref_slice %arg4[%add3A_22, %dma_wait3A_37] : memref<2560x128xi32, #tpu.memory_space<hbm>> -> memref<1x128xi32, #tpu.memory_space<hbm>>
        %dma_wait3A_39 = tpu.memref_squeeze %dma_wait3A_38 : memref<1x128xi32, #tpu.memory_space<hbm>> -> memref<128xi32, #tpu.memory_space<hbm>>
        %dma_wait3A_40 = arith.constant 0 : i32
        %dma_wait3A_41 = tpu.memref_slice %arg4[%add3A_22, %dma_wait3A_40] : memref<2560x128xi32, #tpu.memory_space<hbm>> -> memref<1x128xi32, #tpu.memory_space<hbm>>
        %dma_wait3A_42 = tpu.memref_squeeze %dma_wait3A_41 : memref<1x128xi32, #tpu.memory_space<hbm>> -> memref<128xi32, #tpu.memory_space<hbm>>
        tpu.wait_dma2 semaphore(%run_scoped3A : memref<!tpu.dma_semaphore, #tpu.memory_space<semaphore_mem>>) src(%dma_wait3A_42 : memref<128xi32, #tpu.memory_space<hbm>>) dst(%arg10 : memref<128xi32, #tpu.memory_space<vmem>>)
        tpu.yield
      }) : () -> ()
      %dma_start3A_23 = arith.constant 0 : i32
      %dma_start3A_24 = arith.constant 0 : i32
      %dma_start3A_25 = tpu.memref_slice %arg2[%dma_start3A_23, %dma_start3A_24] : memref<10240x128xf32, #tpu.memory_space<hbm>> -> memref<10240x128xf32, #tpu.memory_space<hbm>>
      tpu.enqueue_indirect_dma source(%dma_start3A_25 : memref<10240x128xf32, #tpu.memory_space<hbm>>) target(%arg12 : memref<128x128xf32, #tpu.memory_space<vmem>>) offsets(%arg9 : memref<128xi32, #tpu.memory_space<vmem>>) semaphore(%arg14 : memref<!tpu.dma_semaphore, #tpu.memory_space<semaphore_mem>>)
      %dma_wait3A = arith.constant 0 : i32
      %dma_wait3A_26 = arith.constant 0 : i32
      %dma_wait3A_27 = tpu.memref_slice %arg2[%dma_wait3A, %dma_wait3A_26] : memref<10240x128xf32, #tpu.memory_space<hbm>> -> memref<10240x128xf32, #tpu.memory_space<hbm>>
      tpu.wait_indirect_dma semaphore(%arg13 : memref<!tpu.dma_semaphore, #tpu.memory_space<semaphore_mem>>) src(%dma_wait3A_27 : memref<10240x128xf32, #tpu.memory_space<hbm>>) dst(%arg11 : memref<128x128xf32, #tpu.memory_space<vmem>>)
      "tpu.region"() ({
        %run_scoped3A = tpu.sem_alloc : memref<!tpu.dma_semaphore, #tpu.memory_space<semaphore_mem>>
        %dma_start3A_31 = arith.constant 0 : i32
        %dma_start3A_32 = arith.constant 0 : i32
        %dma_start3A_33 = tpu.memref_slice %arg16[%dma_start3A_31, %dma_start3A_32] : memref<10240x128xf32, #tpu.memory_space<vmem_shared>> -> memref<10240x128xf32, #tpu.memory_space<vmem_shared>>
        tpu.enqueue_indirect_dma source(%arg11 : memref<128x128xf32, #tpu.memory_space<vmem>>) target(%dma_start3A_33 : memref<10240x128xf32, #tpu.memory_space<vmem_shared>>) offsets(%arg8 : memref<128xi32, #tpu.memory_space<vmem>>) semaphore(%run_scoped3A : memref<!tpu.dma_semaphore, #tpu.memory_space<semaphore_mem>>) {add = true}
        %dma_wait3A_34 = arith.constant 0 : i32
        %dma_wait3A_35 = arith.constant 0 : i32
        %dma_wait3A_36 = tpu.memref_slice %arg16[%dma_wait3A_34, %dma_wait3A_35] : memref<10240x128xf32, #tpu.memory_space<vmem_shared>> -> memref<10240x128xf32, #tpu.memory_space<vmem_shared>>
        tpu.wait_indirect_dma semaphore(%run_scoped3A : memref<!tpu.dma_semaphore, #tpu.memory_space<semaphore_mem>>) src(%arg11 : memref<128x128xf32, #tpu.memory_space<vmem>>) dst(%dma_wait3A_36 : memref<10240x128xf32, #tpu.memory_space<vmem_shared>>)
        tpu.yield
      }) : () -> ()
      %dma_wait3A_28 = arith.constant 0 : i32
      %dma_wait3A_29 = arith.constant 0 : i32
      %dma_wait3A_30 = tpu.memref_slice %arg2[%dma_wait3A_28, %dma_wait3A_29] : memref<10240x128xf32, #tpu.memory_space<hbm>> -> memref<10240x128xf32, #tpu.memory_space<hbm>>
      tpu.wait_indirect_dma semaphore(%arg14 : memref<!tpu.dma_semaphore, #tpu.memory_space<semaphore_mem>>) src(%dma_wait3A_30 : memref<10240x128xf32, #tpu.memory_space<hbm>>) dst(%arg12 : memref<128x128xf32, #tpu.memory_space<vmem>>)
      "tpu.region"() ({
        %run_scoped3A = tpu.sem_alloc : memref<!tpu.dma_semaphore, #tpu.memory_space<semaphore_mem>>
        %dma_start3A_31 = arith.constant 0 : i32
        %dma_start3A_32 = arith.constant 0 : i32
        %dma_start3A_33 = tpu.memref_slice %arg16[%dma_start3A_31, %dma_start3A_32] : memref<10240x128xf32, #tpu.memory_space<vmem_shared>> -> memref<10240x128xf32, #tpu.memory_space<vmem_shared>>
        tpu.enqueue_indirect_dma source(%arg12 : memref<128x128xf32, #tpu.memory_space<vmem>>) target(%dma_start3A_33 : memref<10240x128xf32, #tpu.memory_space<vmem_shared>>) offsets(%arg10 : memref<128xi32, #tpu.memory_space<vmem>>) semaphore(%run_scoped3A : memref<!tpu.dma_semaphore, #tpu.memory_space<semaphore_mem>>) {add = true}
        %dma_wait3A_34 = arith.constant 0 : i32
        %dma_wait3A_35 = arith.constant 0 : i32
        %dma_wait3A_36 = tpu.memref_slice %arg16[%dma_wait3A_34, %dma_wait3A_35] : memref<10240x128xf32, #tpu.memory_space<vmem_shared>> -> memref<10240x128xf32, #tpu.memory_space<vmem_shared>>
        tpu.wait_indirect_dma semaphore(%run_scoped3A : memref<!tpu.dma_semaphore, #tpu.memory_space<semaphore_mem>>) src(%arg12 : memref<128x128xf32, #tpu.memory_space<vmem>>) dst(%dma_wait3A_36 : memref<10240x128xf32, #tpu.memory_space<vmem_shared>>)
        tpu.yield
      }) : () -> ()
    }
    %scan3A_7 = arith.constant 40 : i32
    %barrier3A_8 = arith.constant 0 : index
    tpu.barrier barrier_id(%barrier3A_8)
    "tpu.region"() ({
      %run_scoped3A = tpu.sem_alloc : memref<!tpu.dma_semaphore, #tpu.memory_space<semaphore_mem>>
      %dma_start3A = arith.constant 0 : i32
      %dma_start3A_9 = tpu.memref_slice %arg6[%arg0, %mul3A_2, %dma_start3A] : memref<2x10240x128xf32, #tpu.memory_space<hbm>> -> memref<1x640x128xf32, #tpu.memory_space<hbm>>
      %dma_start3A_10 = tpu.memref_squeeze %dma_start3A_9 : memref<1x640x128xf32, #tpu.memory_space<hbm>> -> memref<640x128xf32, #tpu.memory_space<hbm>>
      %dma_start3A_11 = arith.constant 0 : i32
      %dma_start3A_12 = tpu.memref_slice %arg16[%mul3A_2, %dma_start3A_11] : memref<10240x128xf32, #tpu.memory_space<vmem_shared>> -> memref<640x128xf32, #tpu.memory_space<vmem_shared>>
      tpu.enqueue_dma source(%dma_start3A_12 : memref<640x128xf32, #tpu.memory_space<vmem_shared>>) target(%dma_start3A_10 : memref<640x128xf32, #tpu.memory_space<hbm>>) target_semaphore(%run_scoped3A : memref<!tpu.dma_semaphore, #tpu.memory_space<semaphore_mem>>)
      %dma_wait3A = arith.constant 0 : i32
      %dma_wait3A_13 = tpu.memref_slice %arg6[%arg0, %mul3A_2, %dma_wait3A] : memref<2x10240x128xf32, #tpu.memory_space<hbm>> -> memref<1x640x128xf32, #tpu.memory_space<hbm>>
      %dma_wait3A_14 = tpu.memref_squeeze %dma_wait3A_13 : memref<1x640x128xf32, #tpu.memory_space<hbm>> -> memref<640x128xf32, #tpu.memory_space<hbm>>
      %dma_wait3A_15 = arith.constant 0 : i32
      %dma_wait3A_16 = tpu.memref_slice %arg16[%mul3A_2, %dma_wait3A_15] : memref<10240x128xf32, #tpu.memory_space<vmem_shared>> -> memref<640x128xf32, #tpu.memory_space<vmem_shared>>
      tpu.wait_dma2 semaphore(%run_scoped3A : memref<!tpu.dma_semaphore, #tpu.memory_space<semaphore_mem>>) src(%dma_wait3A_16 : memref<640x128xf32, #tpu.memory_space<vmem_shared>>) dst(%dma_wait3A_14 : memref<640x128xf32, #tpu.memory_space<hbm>>)
      tpu.yield
    }) : () -> ()
    return
  }
}

module attributes {stable_mosaic.version = 14 : i64} {
  func.func @_tc1_body(%arg0: i32, %arg1: memref<512x128xf32, #tpu.memory_space<vmem>>, %arg2: memref<128x128xf32, #tpu.memory_space<vmem>>, %arg3: memref<1x128xf32, #tpu.memory_space<vmem>>, %arg4: memref<512x128xf32, #tpu.memory_space<vmem>>) attributes {dimension_semantics = [#tpu.dimension_semantics<arbitrary>], iteration_bounds = array<i64: 20>, scalar_prefetch = 0 : i64, scratch_operands = 0 : i64, tpu.core_type = #tpu.core_type<tc>, window_params = [{transform_indices = @transform_0, window_bounds = array<i64: 512, 128>}, {pipeline_mode = #tpu.pipeline_mode<synchronous>, transform_indices = @transform_1, window_bounds = array<i64: 128, 128>}, {pipeline_mode = #tpu.pipeline_mode<synchronous>, transform_indices = @transform_2, window_bounds = array<i64: 1, 128>}, {transform_indices = @transform_3, window_bounds = array<i64: 512, 128>}]} {
    %get3A = arith.constant 0 : index
    %get3A_0 = arith.constant 0 : index
    %get3A_1 = vector.load %arg1[%get3A, %get3A_0] : memref<512x128xf32, #tpu.memory_space<vmem>>, vector<512x128xf32>
    %get3A_2 = arith.constant 0 : index
    %get3A_3 = arith.constant 0 : index
    %get3A_4 = vector.load %arg2[%get3A_2, %get3A_3] : memref<128x128xf32, #tpu.memory_space<vmem>>, vector<128x128xf32>
    %dot_general3A = arith.constant dense<0.000000e+00> : vector<512x128xf32>
    %dot_general3A_5 = tpu.matmul %get3A_1, %get3A_4, %dot_general3A {dimension_numbers = #tpu.dot_dimension_numbers<[1], [0], [0], [1], [0, 0, 1, 1], [], []>, precision = #tpu.contract_precision<fp32>, transpose_lhs_hint = false} : vector<512x128xf32>, vector<128x128xf32>, vector<512x128xf32> -> vector<512x128xf32>
    %get3A_6 = arith.constant 0 : index
    %get3A_7 = arith.constant 0 : index
    %get3A_8 = vector.load %arg3[%get3A_6, %get3A_7] : memref<1x128xf32, #tpu.memory_space<vmem>>, vector<1x128xf32>
    %add3A = vector.broadcast %get3A_8 : vector<1x128xf32> to vector<512x128xf32>
    %add3A_9 = arith.addf %dot_general3A_5, %add3A : vector<512x128xf32>
    %swap3A = arith.constant 0 : index
    %swap3A_10 = arith.constant 0 : index
    %swap3A_11 = vector.load %arg4[%swap3A, %swap3A_10] : memref<512x128xf32, #tpu.memory_space<vmem>>, vector<512x128xf32>
    tpu.vector_store %arg4[%swap3A, %swap3A_10], %add3A_9 {strides = array<i32>} : memref<512x128xf32, #tpu.memory_space<vmem>>, vector<512x128xf32>,
    return
  }
  func.func @transform_0(%arg0: i32) -> (i32, i32) {
    %c0_i32 = arith.constant 0 : i32
    %c0_i32_0 = arith.constant 0 : i32
    return %arg0, %c0_i32 : i32, i32
  }
  func.func @transform_1(%arg0: i32) -> (i32, i32) {
    %c0_i32 = arith.constant 0 : i32
    %c0_i32_0 = arith.constant 0 : i32
    %c0_i32_1 = arith.constant 0 : i32
    return %c0_i32, %c0_i32_0 : i32, i32
  }
  func.func @transform_2(%arg0: i32) -> (i32, i32) {
    %c0_i32 = arith.constant 0 : i32
    %c0_i32_0 = arith.constant 0 : i32
    %c0_i32_1 = arith.constant 0 : i32
    return %c0_i32, %c0_i32_0 : i32, i32
  }
  func.func @transform_3(%arg0: i32) -> (i32, i32) {
    %c0_i32 = arith.constant 0 : i32
    %c0_i32_0 = arith.constant 0 : i32
    return %arg0, %c0_i32 : i32, i32
  }
}

module attributes {stable_mosaic.version = 14 : i64} {
  func.func @_tc2_body(%arg0: i32, %arg1: memref<1x512x128xf32, #tpu.memory_space<vmem>>, %arg2: memref<1x512x128xf32, #tpu.memory_space<vmem>>, %arg3: memref<32x512xf32, #tpu.memory_space<vmem>>, %arg4: memref<512x128xf32, #tpu.memory_space<vmem>>, %arg5: memref<128x128xf32, #tpu.memory_space<vmem>>, %arg6: memref<128x128xf32, #tpu.memory_space<vmem>>, %arg7: memref<1x128xf32, #tpu.memory_space<vmem>>, %arg8: memref<512x128xf32, #tpu.memory_space<vmem>>, %arg9: memref<512x128xf32, #tpu.memory_space<vmem>>) attributes {dimension_semantics = [#tpu.dimension_semantics<arbitrary>], iteration_bounds = array<i64: 20>, scalar_prefetch = 0 : i64, scratch_operands = 0 : i64, tpu.core_type = #tpu.core_type<tc>, window_params = [{transform_indices = @transform_0, window_bounds = array<i64: 1, 512, 128>}, {transform_indices = @transform_1, window_bounds = array<i64: 1, 512, 128>}, {transform_indices = @transform_2, window_bounds = array<i64: 32, 512>}, {transform_indices = @transform_3, window_bounds = array<i64: 512, 128>}, {pipeline_mode = #tpu.pipeline_mode<synchronous>, transform_indices = @transform_4, window_bounds = array<i64: 128, 128>}, {pipeline_mode = #tpu.pipeline_mode<synchronous>, transform_indices = @transform_5, window_bounds = array<i64: 128, 128>}, {pipeline_mode = #tpu.pipeline_mode<synchronous>, transform_indices = @transform_6, window_bounds = array<i64: 1, 128>}, {transform_indices = @transform_7, window_bounds = array<i64: 512, 128>}, {transform_indices = @transform_8, window_bounds = array<i64: 512, 128>}]} {
    %get3A = arith.constant 0 : index
    %get3A_0 = arith.constant 0 : index
    %get3A_1 = arith.constant 0 : index
    %get3A_2 = vector.load %arg1[%get3A, %get3A_0, %get3A_1] : memref<1x512x128xf32, #tpu.memory_space<vmem>>, vector<1x512x128xf32>
    %get3A_3 = vector.shape_cast %get3A_2 : vector<1x512x128xf32> to vector<512x128xf32>
    %get3A_4 = arith.constant 0 : index
    %get3A_5 = arith.constant 0 : index
    %get3A_6 = arith.constant 0 : index
    %get3A_7 = vector.load %arg2[%get3A_4, %get3A_5, %get3A_6] : memref<1x512x128xf32, #tpu.memory_space<vmem>>, vector<1x512x128xf32>
    %get3A_8 = vector.shape_cast %get3A_7 : vector<1x512x128xf32> to vector<512x128xf32>
    %add3A = arith.addf %get3A_3, %get3A_8 : vector<512x128xf32>
    %get3A_9 = arith.constant 0 : index
    %get3A_10 = arith.constant 0 : index
    %get3A_11 = vector.load %arg3[%get3A_9, %get3A_10] : memref<32x512xf32, #tpu.memory_space<vmem>>, vector<32x512xf32>
    %reduce_sum3A = arith.constant dense<0.000000e+00> : vector<512xf32>
    %reduce_sum3A_12 = vector.multi_reduction <add>, %get3A_11, %reduce_sum3A [0] : vector<32x512xf32> to vector<512xf32>
    %max3A = arith.constant 1.000000e+00 : f32
    %max3A_13 = vector.broadcast %max3A : f32 to vector<512xf32>
    %max3A_14 = arith.maximumf %reduce_sum3A_12, %max3A_13 : vector<512xf32>
    %broadcast_in_dim3A = vector.shape_cast %max3A_14 : vector<512xf32> to vector<512x1xf32>
    %div3A = vector.broadcast %broadcast_in_dim3A : vector<512x1xf32> to vector<512x128xf32>
    %div3A_15 = arith.divf %add3A, %div3A : vector<512x128xf32>
    %get3A_16 = arith.constant 0 : index
    %get3A_17 = arith.constant 0 : index
    %get3A_18 = vector.load %arg5[%get3A_16, %get3A_17] : memref<128x128xf32, #tpu.memory_space<vmem>>, vector<128x128xf32>
    %dot_general3A = arith.constant dense<0.000000e+00> : vector<512x128xf32>
    %dot_general3A_19 = tpu.matmul %div3A_15, %get3A_18, %dot_general3A {dimension_numbers = #tpu.dot_dimension_numbers<[1], [0], [0], [1], [0, 0, 1, 1], [], []>, precision = #tpu.contract_precision<fp32>, transpose_lhs_hint = false} : vector<512x128xf32>, vector<128x128xf32>, vector<512x128xf32> -> vector<512x128xf32>
    %get3A_20 = arith.constant 0 : index
    %get3A_21 = arith.constant 0 : index
    %get3A_22 = vector.load %arg4[%get3A_20, %get3A_21] : memref<512x128xf32, #tpu.memory_space<vmem>>, vector<512x128xf32>
    %add3A_23 = arith.addf %dot_general3A_19, %get3A_22 : vector<512x128xf32>
    %mul3A = arith.mulf %add3A_23, %add3A_23 : vector<512x128xf32>
    %reduce_sum3A_24 = arith.constant dense<0.000000e+00> : vector<512xf32>
    %reduce_sum3A_25 = vector.multi_reduction <add>, %mul3A, %reduce_sum3A_24 [1] : vector<512x128xf32> to vector<512xf32>
    %broadcast_in_dim3A_26 = vector.shape_cast %reduce_sum3A_25 : vector<512xf32> to vector<512x1xf32>
    %sqrt3A = math.sqrt %broadcast_in_dim3A_26 : vector<512x1xf32>
    %max3A_27 = arith.constant 9.99999996E-13 : f32
    %max3A_28 = vector.broadcast %max3A_27 : f32 to vector<512x1xf32>
    %max3A_29 = arith.maximumf %sqrt3A, %max3A_28 : vector<512x1xf32>
    %div3A_30 = vector.broadcast %max3A_29 : vector<512x1xf32> to vector<512x128xf32>
    %div3A_31 = arith.divf %add3A_23, %div3A_30 : vector<512x128xf32>
    %max3A_32 = arith.constant 0.000000e+00 : f32
    %max3A_33 = vector.broadcast %max3A_32 : f32 to vector<512x128xf32>
    %max3A_34 = arith.maximumf %div3A_31, %max3A_33 : vector<512x128xf32>
    %swap3A = arith.constant 0 : index
    %swap3A_35 = arith.constant 0 : index
    %swap3A_36 = vector.load %arg8[%swap3A, %swap3A_35] : memref<512x128xf32, #tpu.memory_space<vmem>>, vector<512x128xf32>
    tpu.vector_store %arg8[%swap3A, %swap3A_35], %max3A_34 {strides = array<i32>} : memref<512x128xf32, #tpu.memory_space<vmem>>, vector<512x128xf32>,
    %get3A_37 = arith.constant 0 : index
    %get3A_38 = arith.constant 0 : index
    %get3A_39 = vector.load %arg6[%get3A_37, %get3A_38] : memref<128x128xf32, #tpu.memory_space<vmem>>, vector<128x128xf32>
    %dot_general3A_40 = arith.constant dense<0.000000e+00> : vector<512x128xf32>
    %dot_general3A_41 = tpu.matmul %max3A_34, %get3A_39, %dot_general3A_40 {dimension_numbers = #tpu.dot_dimension_numbers<[1], [0], [0], [1], [0, 0, 1, 1], [], []>, precision = #tpu.contract_precision<fp32>, transpose_lhs_hint = false} : vector<512x128xf32>, vector<128x128xf32>, vector<512x128xf32> -> vector<512x128xf32>
    %get3A_42 = arith.constant 0 : index
    %get3A_43 = arith.constant 0 : index
    %get3A_44 = vector.load %arg7[%get3A_42, %get3A_43] : memref<1x128xf32, #tpu.memory_space<vmem>>, vector<1x128xf32>
    %add3A_45 = vector.broadcast %get3A_44 : vector<1x128xf32> to vector<512x128xf32>
    %add3A_46 = arith.addf %dot_general3A_41, %add3A_45 : vector<512x128xf32>
    %swap3A_47 = arith.constant 0 : index
    %swap3A_48 = arith.constant 0 : index
    %swap3A_49 = vector.load %arg9[%swap3A_47, %swap3A_48] : memref<512x128xf32, #tpu.memory_space<vmem>>, vector<512x128xf32>
    tpu.vector_store %arg9[%swap3A_47, %swap3A_48], %add3A_46 {strides = array<i32>} : memref<512x128xf32, #tpu.memory_space<vmem>>, vector<512x128xf32>,
    return
  }
  func.func @transform_0(%arg0: i32) -> (i32, i32, i32) {
    %c0_i32 = arith.constant 0 : i32
    %c0_i32_0 = arith.constant 0 : i32
    %c0_i32_1 = arith.constant 0 : i32
    return %c0_i32, %arg0, %c0_i32_0 : i32, i32, i32
  }
  func.func @transform_1(%arg0: i32) -> (i32, i32, i32) {
    %c1_i32 = arith.constant 1 : i32
    %c0_i32 = arith.constant 0 : i32
    %c0_i32_0 = arith.constant 0 : i32
    return %c1_i32, %arg0, %c0_i32 : i32, i32, i32
  }
  func.func @transform_2(%arg0: i32) -> (i32, i32) {
    %c0_i32 = arith.constant 0 : i32
    %c0_i32_0 = arith.constant 0 : i32
    return %c0_i32, %arg0 : i32, i32
  }
  func.func @transform_3(%arg0: i32) -> (i32, i32) {
    %c0_i32 = arith.constant 0 : i32
    %c0_i32_0 = arith.constant 0 : i32
    return %arg0, %c0_i32 : i32, i32
  }
  func.func @transform_4(%arg0: i32) -> (i32, i32) {
    %c0_i32 = arith.constant 0 : i32
    %c0_i32_0 = arith.constant 0 : i32
    %c0_i32_1 = arith.constant 0 : i32
    return %c0_i32, %c0_i32_0 : i32, i32
  }
  func.func @transform_5(%arg0: i32) -> (i32, i32) {
    %c0_i32 = arith.constant 0 : i32
    %c0_i32_0 = arith.constant 0 : i32
    %c0_i32_1 = arith.constant 0 : i32
    return %c0_i32, %c0_i32_0 : i32, i32
  }
  func.func @transform_6(%arg0: i32) -> (i32, i32) {
    %c0_i32 = arith.constant 0 : i32
    %c0_i32_0 = arith.constant 0 : i32
    %c0_i32_1 = arith.constant 0 : i32
    return %c0_i32, %c0_i32_0 : i32, i32
  }
  func.func @transform_7(%arg0: i32) -> (i32, i32) {
    %c0_i32 = arith.constant 0 : i32
    %c0_i32_0 = arith.constant 0 : i32
    return %arg0, %c0_i32 : i32, i32
  }
  func.func @transform_8(%arg0: i32) -> (i32, i32) {
    %c0_i32 = arith.constant 0 : i32
    %c0_i32_0 = arith.constant 0 : i32
    return %arg0, %c0_i32 : i32, i32
  }
}

module attributes {stable_mosaic.version = 14 : i64} {
  func.func @_tc3_body(%arg0: i32, %arg1: memref<1x512x128xf32, #tpu.memory_space<vmem>>, %arg2: memref<1x512x128xf32, #tpu.memory_space<vmem>>, %arg3: memref<32x512xf32, #tpu.memory_space<vmem>>, %arg4: memref<512x128xf32, #tpu.memory_space<vmem>>, %arg5: memref<128x128xf32, #tpu.memory_space<vmem>>, %arg6: memref<128x256xf32, #tpu.memory_space<vmem>>, %arg7: memref<1x256xf32, #tpu.memory_space<vmem>>, %arg8: memref<256x128xf32, #tpu.memory_space<vmem>>, %arg9: memref<1x128xf32, #tpu.memory_space<vmem>>, %arg10: memref<512x128xf32, #tpu.memory_space<vmem>>, %arg11: memref<512x128xf32, #tpu.memory_space<vmem>>) attributes {dimension_semantics = [#tpu.dimension_semantics<arbitrary>], iteration_bounds = array<i64: 20>, scalar_prefetch = 0 : i64, scratch_operands = 0 : i64, tpu.core_type = #tpu.core_type<tc>, window_params = [{transform_indices = @transform_0, window_bounds = array<i64: 1, 512, 128>}, {transform_indices = @transform_1, window_bounds = array<i64: 1, 512, 128>}, {transform_indices = @transform_2, window_bounds = array<i64: 32, 512>}, {transform_indices = @transform_3, window_bounds = array<i64: 512, 128>}, {pipeline_mode = #tpu.pipeline_mode<synchronous>, transform_indices = @transform_4, window_bounds = array<i64: 128, 128>}, {pipeline_mode = #tpu.pipeline_mode<synchronous>, transform_indices = @transform_5, window_bounds = array<i64: 128, 256>}, {pipeline_mode = #tpu.pipeline_mode<synchronous>, transform_indices = @transform_6, window_bounds = array<i64: 1, 256>}, {pipeline_mode = #tpu.pipeline_mode<synchronous>, transform_indices = @transform_7, window_bounds = array<i64: 256, 128>}, {pipeline_mode = #tpu.pipeline_mode<synchronous>, transform_indices = @transform_8, window_bounds = array<i64: 1, 128>}, {transform_indices = @transform_9, window_bounds = array<i64: 512, 128>}, {transform_indices = @transform_10, window_bounds = array<i64: 512, 128>}]} {
    %get3A = arith.constant 0 : index
    %get3A_0 = arith.constant 0 : index
    %get3A_1 = arith.constant 0 : index
    %get3A_2 = vector.load %arg1[%get3A, %get3A_0, %get3A_1] : memref<1x512x128xf32, #tpu.memory_space<vmem>>, vector<1x512x128xf32>
    %get3A_3 = vector.shape_cast %get3A_2 : vector<1x512x128xf32> to vector<512x128xf32>
    %get3A_4 = arith.constant 0 : index
    %get3A_5 = arith.constant 0 : index
    %get3A_6 = arith.constant 0 : index
    %get3A_7 = vector.load %arg2[%get3A_4, %get3A_5, %get3A_6] : memref<1x512x128xf32, #tpu.memory_space<vmem>>, vector<1x512x128xf32>
    %get3A_8 = vector.shape_cast %get3A_7 : vector<1x512x128xf32> to vector<512x128xf32>
    %add3A = arith.addf %get3A_3, %get3A_8 : vector<512x128xf32>
    %get3A_9 = arith.constant 0 : index
    %get3A_10 = arith.constant 0 : index
    %get3A_11 = vector.load %arg3[%get3A_9, %get3A_10] : memref<32x512xf32, #tpu.memory_space<vmem>>, vector<32x512xf32>
    %reduce_sum3A = arith.constant dense<0.000000e+00> : vector<512xf32>
    %reduce_sum3A_12 = vector.multi_reduction <add>, %get3A_11, %reduce_sum3A [0] : vector<32x512xf32> to vector<512xf32>
    %max3A = arith.constant 1.000000e+00 : f32
    %max3A_13 = vector.broadcast %max3A : f32 to vector<512xf32>
    %max3A_14 = arith.maximumf %reduce_sum3A_12, %max3A_13 : vector<512xf32>
    %broadcast_in_dim3A = vector.shape_cast %max3A_14 : vector<512xf32> to vector<512x1xf32>
    %div3A = vector.broadcast %broadcast_in_dim3A : vector<512x1xf32> to vector<512x128xf32>
    %div3A_15 = arith.divf %add3A, %div3A : vector<512x128xf32>
    %get3A_16 = arith.constant 0 : index
    %get3A_17 = arith.constant 0 : index
    %get3A_18 = vector.load %arg5[%get3A_16, %get3A_17] : memref<128x128xf32, #tpu.memory_space<vmem>>, vector<128x128xf32>
    %dot_general3A = arith.constant dense<0.000000e+00> : vector<512x128xf32>
    %dot_general3A_19 = tpu.matmul %div3A_15, %get3A_18, %dot_general3A {dimension_numbers = #tpu.dot_dimension_numbers<[1], [0], [0], [1], [0, 0, 1, 1], [], []>, precision = #tpu.contract_precision<fp32>, transpose_lhs_hint = false} : vector<512x128xf32>, vector<128x128xf32>, vector<512x128xf32> -> vector<512x128xf32>
    %get3A_20 = arith.constant 0 : index
    %get3A_21 = arith.constant 0 : index
    %get3A_22 = vector.load %arg4[%get3A_20, %get3A_21] : memref<512x128xf32, #tpu.memory_space<vmem>>, vector<512x128xf32>
    %add3A_23 = arith.addf %dot_general3A_19, %get3A_22 : vector<512x128xf32>
    %mul3A = arith.mulf %add3A_23, %add3A_23 : vector<512x128xf32>
    %reduce_sum3A_24 = arith.constant dense<0.000000e+00> : vector<512xf32>
    %reduce_sum3A_25 = vector.multi_reduction <add>, %mul3A, %reduce_sum3A_24 [1] : vector<512x128xf32> to vector<512xf32>
    %broadcast_in_dim3A_26 = vector.shape_cast %reduce_sum3A_25 : vector<512xf32> to vector<512x1xf32>
    %sqrt3A = math.sqrt %broadcast_in_dim3A_26 : vector<512x1xf32>
    %max3A_27 = arith.constant 9.99999996E-13 : f32
    %max3A_28 = vector.broadcast %max3A_27 : f32 to vector<512x1xf32>
    %max3A_29 = arith.maximumf %sqrt3A, %max3A_28 : vector<512x1xf32>
    %div3A_30 = vector.broadcast %max3A_29 : vector<512x1xf32> to vector<512x128xf32>
    %div3A_31 = arith.divf %add3A_23, %div3A_30 : vector<512x128xf32>
    %swap3A = arith.constant 0 : index
    %swap3A_32 = arith.constant 0 : index
    %swap3A_33 = vector.load %arg10[%swap3A, %swap3A_32] : memref<512x128xf32, #tpu.memory_space<vmem>>, vector<512x128xf32>
    tpu.vector_store %arg10[%swap3A, %swap3A_32], %div3A_31 {strides = array<i32>} : memref<512x128xf32, #tpu.memory_space<vmem>>, vector<512x128xf32>,
    %get3A_34 = arith.constant 0 : index
    %get3A_35 = arith.constant 0 : index
    %get3A_36 = vector.load %arg6[%get3A_34, %get3A_35] : memref<128x256xf32, #tpu.memory_space<vmem>>, vector<128x256xf32>
    %dot_general3A_37 = arith.constant dense<0.000000e+00> : vector<512x256xf32>
    %dot_general3A_38 = tpu.matmul %div3A_31, %get3A_36, %dot_general3A_37 {dimension_numbers = #tpu.dot_dimension_numbers<[1], [0], [0], [1], [0, 0, 1, 1], [], []>, precision = #tpu.contract_precision<fp32>, transpose_lhs_hint = false} : vector<512x128xf32>, vector<128x256xf32>, vector<512x256xf32> -> vector<512x256xf32>
    %get3A_39 = arith.constant 0 : index
    %get3A_40 = arith.constant 0 : index
    %get3A_41 = vector.load %arg7[%get3A_39, %get3A_40] : memref<1x256xf32, #tpu.memory_space<vmem>>, vector<1x256xf32>
    %add3A_42 = vector.broadcast %get3A_41 : vector<1x256xf32> to vector<512x256xf32>
    %add3A_43 = arith.addf %dot_general3A_38, %add3A_42 : vector<512x256xf32>
    %max3A_44 = arith.constant 0.000000e+00 : f32
    %max3A_45 = vector.broadcast %max3A_44 : f32 to vector<512x256xf32>
    %max3A_46 = arith.maximumf %add3A_43, %max3A_45 : vector<512x256xf32>
    %get3A_47 = arith.constant 0 : index
    %get3A_48 = arith.constant 0 : index
    %get3A_49 = vector.load %arg8[%get3A_47, %get3A_48] : memref<256x128xf32, #tpu.memory_space<vmem>>, vector<256x128xf32>
    %dot_general3A_50 = arith.constant dense<0.000000e+00> : vector<512x128xf32>
    %dot_general3A_51 = tpu.matmul %max3A_46, %get3A_49, %dot_general3A_50 {dimension_numbers = #tpu.dot_dimension_numbers<[1], [0], [0], [1], [0, 0, 1, 1], [], []>, precision = #tpu.contract_precision<fp32>, transpose_lhs_hint = false} : vector<512x256xf32>, vector<256x128xf32>, vector<512x128xf32> -> vector<512x128xf32>
    %get3A_52 = arith.constant 0 : index
    %get3A_53 = arith.constant 0 : index
    %get3A_54 = vector.load %arg9[%get3A_52, %get3A_53] : memref<1x128xf32, #tpu.memory_space<vmem>>, vector<1x128xf32>
    %add3A_55 = vector.broadcast %get3A_54 : vector<1x128xf32> to vector<512x128xf32>
    %add3A_56 = arith.addf %dot_general3A_51, %add3A_55 : vector<512x128xf32>
    %swap3A_57 = arith.constant 0 : index
    %swap3A_58 = arith.constant 0 : index
    %swap3A_59 = vector.load %arg11[%swap3A_57, %swap3A_58] : memref<512x128xf32, #tpu.memory_space<vmem>>, vector<512x128xf32>
    tpu.vector_store %arg11[%swap3A_57, %swap3A_58], %add3A_56 {strides = array<i32>} : memref<512x128xf32, #tpu.memory_space<vmem>>, vector<512x128xf32>,
    return
  }
  func.func @transform_0(%arg0: i32) -> (i32, i32, i32) {
    %c0_i32 = arith.constant 0 : i32
    %c0_i32_0 = arith.constant 0 : i32
    %c0_i32_1 = arith.constant 0 : i32
    return %c0_i32, %arg0, %c0_i32_0 : i32, i32, i32
  }
  func.func @transform_1(%arg0: i32) -> (i32, i32, i32) {
    %c1_i32 = arith.constant 1 : i32
    %c0_i32 = arith.constant 0 : i32
    %c0_i32_0 = arith.constant 0 : i32
    return %c1_i32, %arg0, %c0_i32 : i32, i32, i32
  }
  func.func @transform_2(%arg0: i32) -> (i32, i32) {
    %c0_i32 = arith.constant 0 : i32
    %c0_i32_0 = arith.constant 0 : i32
    return %c0_i32, %arg0 : i32, i32
  }
  func.func @transform_3(%arg0: i32) -> (i32, i32) {
    %c0_i32 = arith.constant 0 : i32
    %c0_i32_0 = arith.constant 0 : i32
    return %arg0, %c0_i32 : i32, i32
  }
  func.func @transform_4(%arg0: i32) -> (i32, i32) {
    %c0_i32 = arith.constant 0 : i32
    %c0_i32_0 = arith.constant 0 : i32
    %c0_i32_1 = arith.constant 0 : i32
    return %c0_i32, %c0_i32_0 : i32, i32
  }
  func.func @transform_5(%arg0: i32) -> (i32, i32) {
    %c0_i32 = arith.constant 0 : i32
    %c0_i32_0 = arith.constant 0 : i32
    %c0_i32_1 = arith.constant 0 : i32
    return %c0_i32, %c0_i32_0 : i32, i32
  }
  func.func @transform_6(%arg0: i32) -> (i32, i32) {
    %c0_i32 = arith.constant 0 : i32
    %c0_i32_0 = arith.constant 0 : i32
    %c0_i32_1 = arith.constant 0 : i32
    return %c0_i32, %c0_i32_0 : i32, i32
  }
  func.func @transform_7(%arg0: i32) -> (i32, i32) {
    %c0_i32 = arith.constant 0 : i32
    %c0_i32_0 = arith.constant 0 : i32
    %c0_i32_1 = arith.constant 0 : i32
    return %c0_i32, %c0_i32_0 : i32, i32
  }
  func.func @transform_8(%arg0: i32) -> (i32, i32) {
    %c0_i32 = arith.constant 0 : i32
    %c0_i32_0 = arith.constant 0 : i32
    %c0_i32_1 = arith.constant 0 : i32
    return %c0_i32, %c0_i32_0 : i32, i32
  }
  func.func @transform_9(%arg0: i32) -> (i32, i32) {
    %c0_i32 = arith.constant 0 : i32
    %c0_i32_0 = arith.constant 0 : i32
    return %arg0, %c0_i32 : i32, i32
  }
  func.func @transform_10(%arg0: i32) -> (i32, i32) {
    %c0_i32 = arith.constant 0 : i32
    %c0_i32_0 = arith.constant 0 : i32
    return %arg0, %c0_i32 : i32, i32
  }
}

</mosaic_0001>

<sc_bundles>
// kernel: kernel.10.cloned.1.call-start
scs
__scs_entry_jumppad:
0x0: {  	(pc) =	sbr.rel $0x88, $3  }
0x1: {  	(tag) =	ssettag $0x0;
	lr =	simm.s32 $0x1  }
0x2: {  	[smem:$0x3F95] =	sst lr;
	_ =	strace $0xD0000000  }
0x3: {  	_ = 	snop  }
0x4: {  	_ = 	snop  }
0x5: {  	_ = 	snop  }
0x6: {  	_ = 	snop  }
0x7: {  	_ = 	snop  }
__scs_overlays_trampoline_lowered:
0x8: {  	[smem:$0x3FA4] =	sst s0  }
0x9: {  	[smem:$0x3FA5] =	sst s1  }
0xa: {  	[smem:$0x3FA6] =	sst s2  }
0xb: {  	[smem:$0x3FA7] =	sst s3  }
0xc: {  	[smem:$0x3FA8] =	sst s4  }
0xd: {  	[smem:$0x3FA9] =	sst s5  }
0xe: {  	[smem:$0x3FAA] =	sst s6  }
0xf: {  	[smem:$0x3FAB] =	sst s7  }
0x10: {  	[smem:$0x3FAC] =	sst s8  }
0x11: {  	[smem:$0x3FAD] =	sst s9;
	s0 =	simm.s32 @!p0 $0x0  }
0x12: {  	s1 =	sld [smem:$0x3F93];
	s0 =	simm.s32 @p0 $0x1  }
0x13: {  	[smem:$0x3FAE] =	sst s0;
	s0 =	simm.s32 @!p1 $0x0  }
0x14: {  	s2 =	sld [smem:$0x3F92];
	s0 =	simm.s32 @p1 $0x1  }
0x15: {  	[smem:$0x3FAF] =	sst s0;
	s0 =	simm.s32 @!p2 $0x0  }
0x16: {  	s3 =	sld [smem:$0x3FDB];
	s0 =	simm.s32 @p2 $0x1  }
0x17: {  	s4 =	simm.s32 $0x1BF5;
	[smem:$0x3FB1] =	sst s0  }
0x18: {  	s0 =	sld [smem:$0x3F94];
	_ =	swait.ge [sflag:s4], $0x0  }
0x19: {  	s7 =	sld [smem:$0x3F95]  }
0x1a: {  	s8 =	sadd.s32 $0xFFFFE003, lr  }
0x1b: {  	s9 =	sadd.s32 $0xFFFFFEF7, lr;
	s5 =	simm.s32 $0xFFFFFFFF;
	p2 =	slt.u32 s8, $0xFFFFF086  }
0x1c: {  	p1 =	slt.u32 s9, $0xF7A;
	s5 =	simm.s32 @!p2 $0x0  }
0x1d: {  	s5 =	simm.s32 @p1 $0x1;
	p0 =	seq.s32 s7, s2  }
0x1e: {  	s7 =	smul.u32 @!p0 $0xF7A, s2;
	p2 =	seq.s32 @!p0 s5, $0x0  }
0x1f: {  	s9 =	smul.u32 $0xF7A, s1;
	s8 =	simm.s32 @!p0 $0x1BF5;
	p2 =	por !p2, p0  }
0x20: {  	[sflag:s8] =	ssyncset.s32 @!p0 $0xFFFFF086;
	s6 =	sadd.s32 @!p0 s3, s7;
	s7 =	simm.s32 @!p0 $0x108  }
0x21: {  	s3 =	sadd.s32 s3, s9;
	s6 =	sadd.s32 @!p0 $0x88, s6;
	s7 =	simm.s32 @p2 $0x1082  }
0x22: {  	[simem:s7], [sflag:s8] =	dma.local @!p0 [hbm:s6], $0xF7A  }
0x23: {  	s9 =	sor.u32 $0xD0000000, s2;
	s6 =	simm.s32 $0x108;
	_ =	swait.ge @!p0 [sflag:s8], $0x0  }
0x24: {  	s3 =	sadd.s32 $0x88, s3;
	s6 =	simm.s32 @!p1 $0x1082;
	[sflag:s4] =	ssyncset.s32 $0xFFFFF086  }
0x25: {  	[simem:s6], [sflag:s4] =	dma.local [hbm:s3], $0xF7A  }
0x26: {  	[smem:$0x3F95] =	sst s1;
	(tag) =	ssettag s2;
	_ =	strace s9  }
0x27: {  	s1 =	sld [smem:$0x3FA5]  }
0x28: {  	s2 =	sld [smem:$0x3FA6]  }
0x29: {  	s4 =	sld [smem:$0x3FA8]  }
0x2a: {  	p0 =	seq.s32 s5, $0x0;
	s5 =	sld [smem:$0x3FA9]  }
0x2b: {  	s6 =	sld [smem:$0x3FAA]  }
0x2c: {  	s7 =	sld [smem:$0x3FAB]  }
0x2d: {  	s3 =	simm.s32 $0x108;
	s8 =	sld [smem:$0x3FAC]  }
0x2e: {  	s3 =	simm.s32 @!p0 $0x1082;
	s9 =	sld [smem:$0x3FAD]  }
0x2f: {  	lr =	sadd.s32 s0, s3;
	s0 =	sld [smem:$0x3FA4]  }
0x30: {  	s3 =	sld [smem:$0x3FA7]  }
0x31: {  	[smem:$0x3FB0] =	sst s10  }
0x32: {  	s10 =	sld [smem:$0x3FAE];
	_ =	sdelay $0x3  }
0x33: {  	p0 =	seq.s32 s10, $0x1;
	s10 =	sld [smem:$0x3FB0];
	_ =	sdelay $0x3  }
0x34: {  	[smem:$0x3FB0] =	sst s10  }
0x35: {  	s10 =	sld [smem:$0x3FAF];
	_ =	sdelay $0x3  }
0x36: {  	p1 =	seq.s32 s10, $0x1;
	s10 =	sld [smem:$0x3FB0];
	_ =	sdelay $0x3  }
0x37: {  	[smem:$0x3FB0] =	sst s10  }
0x38: {  	s10 =	sld [smem:$0x3FB1]  }
0x39: {  	_ = 	snop;
	(pc) =	sbr.ind lr, $3  }
0x3a: {  	_ = 	snop  }
0x3b: {  	_ = 	snop  }
0x3c: {  	p2 =	seq.s32 s10, $0x1;
	s10 =	sld [smem:$0x3FB0]  }
0x3d: {  	_ =	shalt  }
0x3e: {  	_ =	shalt  }
0x3f: {  	_ =	shalt  }
0x40: {  	_ =	shalt  }
0x41: {  	_ =	shalt  }
0x42: {  	_ =	shalt  }
0x43: {  	_ =	shalt  }
0x44: {  	_ =	shalt  }
0x45: {  	_ =	shalt  }
0x46: {  	_ =	shalt  }
0x47: {  	_ =	shalt  }
0x48: {  	_ =	shalt  }
0x49: {  	_ =	shalt  }
0x4a: {  	_ =	shalt  }
0x4b: {  	_ =	shalt  }
0x4c: {  	_ =	shalt  }
0x4d: {  	_ =	shalt  }
0x4e: {  	_ =	shalt  }
0x4f: {  	_ =	shalt  }
0x50: {  	_ =	shalt  }
0x51: {  	_ =	shalt  }
0x52: {  	_ =	shalt  }
0x53: {  	_ =	shalt  }
0x54: {  	_ =	shalt  }
0x55: {  	_ =	shalt  }
0x56: {  	_ =	shalt  }
0x57: {  	_ =	shalt  }
0x58: {  	_ =	shalt  }
0x59: {  	_ =	shalt  }
0x5a: {  	_ =	shalt  }
0x5b: {  	_ =	shalt  }
0x5c: {  	_ =	shalt  }
0x5d: {  	_ =	shalt  }
0x5e: {  	_ =	shalt  }
0x5f: {  	_ =	shalt  }
0x60: {  	_ =	shalt  }
0x61: {  	_ =	shalt  }
0x62: {  	_ =	shalt  }
0x63: {  	_ =	shalt  }
0x64: {  	_ =	shalt  }
0x65: {  	_ =	shalt  }
0x66: {  	_ =	shalt  }
0x67: {  	_ =	shalt  }
0x68: {  	_ =	shalt  }
0x69: {  	_ =	shalt  }
0x6a: {  	_ =	shalt  }
0x6b: {  	_ =	shalt  }
0x6c: {  	_ =	shalt  }
0x6d: {  	_ =	shalt  }
0x6e: {  	_ =	shalt  }
0x6f: {  	_ =	shalt  }
0x70: {  	_ =	shalt  }
0x71: {  	_ =	shalt  }
0x72: {  	_ =	shalt  }
0x73: {  	_ =	shalt  }
0x74: {  	_ =	shalt  }
0x75: {  	_ =	shalt  }
0x76: {  	_ =	shalt  }
0x77: {  	_ =	shalt  }
0x78: {  	_ =	shalt  }
0x79: {  	_ =	shalt  }
0x7a: {  	_ =	shalt  }
0x7b: {  	_ =	shalt  }
0x7c: {  	_ =	shalt  }
0x7d: {  	_ =	shalt  }
0x7e: {  	_ =	shalt  }
0x7f: {  	_ =	shalt  }
0x80: {  	_ =	shalt  }
0x81: {  	_ =	shalt  }
0x82: {  	_ =	shalt  }
0x83: {  	_ =	shalt  }
0x84: {  	_ =	shalt  }
0x85: {  	_ =	shalt  }
0x86: {  	_ =	shalt  }
0x87: {  	_ =	shalt  }
.Lfunc_end0:
.L_simem_size_0:
called_computation.1_lowered:
.L_overlay_start_0:
0x88: {  	s2 =	sld [smem:$0x3FD9]  }
0x89: {  	s3 =	sld [smem:$0x3FFE];
	_ =	sdelay $0x1  }
0x8a: {  	s1 =	srdreg.scid  }
0x8b: {  	s0 =	sand.u32 $0x1, s1  }
0x8c: {  	s14 =	sshll.u32 s0, $0xA;
	s2 =	sadd.s32 s3, s2  }
0x8d: {  	s2 =	sadd.s32 s2, s14  }
0x8e: {  	[smem:$0x3FBC] =	sst s2  }
0x8f: {  	_ = 	snop  }
0x90: {  	s2 =	sld [smem:$0x3FD0];
	_ =	sdelay $0x2  }
0x91: {  	s15 =	simm.s32 $0xA;
	s4 =	simm.s32 $0x10  }
0x92: {  	[smem:s4], [sflag:s15] =	dma.local [hbm:s2], $0x1  }
0x93: {  	_ =	swait.eq [sflag:s15], $0x1  }
0x94: {  	[sflag:s15] =	ssyncset.done $0x0  }
0x95: {  	[sflag:s15] =	ssyncadd.s32 $0xFFFFFFFF  }
0x96: {  	s16 =	sld [smem:$0x12];
	(tm) =	ssettm $0x1  }
0x97: {  	s17 =	sld [smem:$0x3FFB];
	_ =	sdelay $0x3  }
0x98: {  	_ =	strace s17  }
0x99: {  	s3 =	sld [smem:$0x3FFC];
	_ =	sdelay $0x3  }
0x9a: {  	_ =	strace s3  }
0x9b: {  	s3 =	sld [smem:$0x3FFD];
	_ =	sdelay $0x3  }
0x9c: {  	_ =	strace s3  }
0x9d: {  	_ =	strace $0x8FFFFFFF  }
0x9e: {  	s18 =	sld [smem:$0x3FDB];
	_ =	sdelay $0x1  }
0x9f: {  	s19 =	simm.s32 $_scs_section_size  }
0xa0: {  	s5 =	simm.s32 $_size__tile_overlayer_lowered;
	s6 =	simm.s32 $_tile_overlayer_lowered  }
0xa1: {  	s22 =	simm.s32 $0x1BFF;
	s21 =	sshll.u32 s6, $0x1;
	s3 =	sadd.s32 s19, s18  }
0xa2: {  	s7 =	simm.s32 $0x0;
	s20 =	sshll.u32 s5, $0x1;
	s5 =	sadd.s32 s21, s3  }
0xa3: {  	[timem:s7], [sflag:s22] =	dma.local [hbm:s5], s20  }
0xa4: {  	_ =	swait.ge [sflag:s22], s20  }
0xa5: {  	s4 =	ssub.s32 $0x0, s20;
	[sflag:s22] =	ssyncset.done $0x0  }
0xa6: {  	[sflag:s22] =	ssyncadd.s32 s4;
	_ =	sdelay $0x1  }
0xa7: {  	s23 =	simm.s32 $0x1B8B  }
0xa8: {  	_ =	swait.ge [sflag:s23], $0x1  }
0xa9: {  	[sflag:s23] =	ssyncset.done $0x0  }
0xaa: {  	s25 =	simm.s32 $0x1B8E;
	s24 =	sld [smem:$0x3FFE];
	[sflag:s23] =	ssyncadd.s32 $0xFFFFFFFF  }
0xab: {  	s26 =	simm.s32 $execute0_lowered;
	[smem:$0x3FD2] =	sst s25  }
0xac: {  	s5 =	sshll.u32 s26, $0x1;
	_ =	strace $0x80000049;
	[dreg:$0x1] =	wrdreg $0xFFFFFFFF  }
0xad: {  	s28 =	simm.s32 $_size_execute0_lowered;
	s3 =	sadd.s32 s3, s5;
	[dreg:$0x0] =	wrdreg $0x0  }
0xae: {  	s5 =	sshll.u32 s28, $0x1;
	[dreg:$0x2] =	wrdreg s3  }
0xaf: {  	[dreg:$0x3] =	wrdreg s5  }
0xb0: {  	[dreg:$0x4] =	wrdreg $0xC0  }
0xb1: {  	_ =	task [dreg:s7], $0x5FFFF  }
0xb2: {  	[dreg:$0x1] =	wrdreg $0xFFFFFFFF  }
0xb3: {  	[dreg:$0x0] =	wrdreg $0x60  }
0xb4: {  	[dreg:$0x2] =	wrdreg s24  }
0xb5: {  	[dreg:$0x3] =	wrdreg s16  }
0xb6: {  	[dreg:$0x4] =	wrdreg $0x82000  }
0xb7: {  	[dreg:$0x5] =	wrdreg $0x9  }
0xb8: {  	_ =	task.clear_ibuf [dreg:s7], $0x6FFFF;
	_ =	strace $0x90000049  }
0xb9: {  	s29 =	simm.s32 $0x9;
	_ =	strace $0x8000004B  }
0xba: {  	_ =	swait.ge [sflag:s29], $0x1  }
0xbb: {  	[sflag:s29] =	ssyncadd.s32 $0xFFFFFFFF  }
0xbc: {  	_ =	strace $0x9000004B  }
0xbd: {  	_ =	sfence  }
0xbe: {  	s30 =	sld [smem:$0x0];
	_ =	sdelay $0x2  }
0xbf: {  	s31 =	sshll.u32 s1, $0xD;
	s1 =	sshrl.u32 s1, $0x2  }
0xc0: {  	s3 =	sand.u32 $0x4000, s31;
	s1 =	sadd.s32 s1, s30  }
0xc1: {  	s0 =	sor.u32 s3, s0;
	s1 =	sshll.u32 s1, $0x11  }
0xc2: {  	s0 =	sor.u32 s1, s0  }
0xc3: {  	s0 =	sadd.s32 $0x8F2B, s0  }
0xc4: {  	[sflag:s0] =	ssyncadd.remote.s32 $0x1  }
0xc5: {  	_ =	sfence.sel $0xFFFF  }
0xc6: {  	[dreg:$0x0] =	wrdreg $0xFFFFFFFF;
	(pc) =	sbr.abs _section_cstart, $3  }
0xc7: {  	[dreg:$0x1] =	wrdreg $0xFFFFFFFF  }
0xc8: {  	_ =	task.clear_ibuf [dreg:s7], $0x2FFFF;
	_ =	strace $0x9FFFFFFF  }
0xc9: {  	(tm) =	ssettm $0x7FFFFFFF  }
tec
execute0_lowered:
.L_overlay_start_1:
0x0: {  	(tag) =	ssettag $0x1  }
0x1: {  	s7 =	rddreg [dreg:$0x0]  }
0x2: {  	s2 =	rddreg [dreg:$0x1]  }
0x3: {  	s3 =	rddreg [dreg:$0x2]  }
0x4: {  	s0 =	rddreg [dreg:$0x3]  }
0x5: {  	s1 =	stileid.u32;
	s5 =	srdreg.scid;
	s4 =	simm.s32 $0x0  }
0x6: {  	s16 =	simm.s32 $0x100;
	s17 =	simm.s32 $0x180;
	s18 =	simm.s32 $0x4200  }
0x7: {  	s19 =	simm.s32 $0x1;
	s20 =	simm.s32 $0x2;
	s8 =	smul.u32 $0x14000, s1  }
0x8: {  	s21 =	simm.s32 $0x0;
	s9 =	sand.u32 $0x1, s5;
	s12 =	smul.u32 $0x50000, s1  }
0x9: {  	[smem:$0x7FF] =	sst s4;
	s5 =	sadd.s32 $0xCC00, s7;
	s15 =	smul.u32 $0x500, s1  }
0xa: {  	s6 =	sadd.s32 $0x2C00, s7;
	s31 =	sshll.u32 s1, $0x6;
	s10 =	smul.u32 $0x140000, s9  }
0xb: {  	_ =	strace $0x8000004A;
	s26 =	ssub.s32 $0x2, s9;
	s30 =	smul.u32 $0x5000, s9  }
0xc: {  	s11 =	sshrl.u32 s8, $0x3;
	s28 =	sshrl.u32 s26, $0x1;
	s29 =	sshrl.u32 s12, $0x2  }
0xd: {  	s8 =	sadd.s32 s8, s10;
	s11 =	sadd.s32 s11, s7;
	s10 =	ssub.s32 s26, s28  }
0xe: {  	s14 =	sadd.s32 s29, s3;
	s8 =	sshrl.u32 s8, $0x3;
	s10 =	smax.u32 s10, $0x1  }
0xf: {  	s12 =	sshrl.u32 s14, $0x3;
	s14 =	simm.s32 $0x80;
	s13 =	sadd.s32 s8, s7  }
0x10: {  	s7 =	sadd.s32 $0x34C00, s11;
	s8 =	sor.u32 $0x1C03, s31;
	s11 =	sadd.s32 s15, s30  }
0x11: {  	s15 =	simm.s32 $0x200;
	s9 =	sadd.s32 $0x5CC00, s13;
	s13 =	simm.s32 $0x3  }
.LBB2_1:
0x12: {  	[spmem:s12], [sflag:s8] =	dma.local [hbm:s7], $0x2800  }
0x13: {  	s22 =	sadd.s32 $0x0, s11;
	_ =	swait.ge [sflag:s13], $0x2800  }
0x14: {  	s23 =	sand.u32 $0x60, s4;
	s22 =	sand.u32 $0x1FF80, s22;
	[sflag:s13] =	ssyncset.done $0x0  }
0x15: {  	s22 =	sor.u32 s23, s22;
	[sflag:s13] =	ssyncadd.s32 $0xFFFFD800  }
0x16: {  	s23 =	sadd.s32 s6, s22;
	[bflag:$0x0] =	sbarrier.arrive $0xFFFF  }
0x17: {  	[tilespmem:s4], [sflag:$0x3] =	stream.linear.gather [hbm4b:s23+s4], $0x80, $0x38;
	[tilespmem:$0x1C200] =	vst v63  }
0x18: {  	_ =	swait.ge [sflag:s13], $0x80  }
0x19: {  	[sflag:s13] =	ssyncset.done $0x0  }
0x1a: {  	s28 =	sadd.s32 s2, s22;
	[sflag:s13] =	ssyncadd.s32 $0xFFFFFF80  }
0x1b: {  	[tilespmem:s14], [sflag:$0x3] =	stream.linear.gather [hbm4b:s28+s4], $0x80, $0x38;
	[tilespmem:$0x1C200] =	vst v63  }
0x1c: {  	_ =	swait.ge [sflag:s13], $0x80  }
0x1d: {  	[sflag:s13] =	ssyncset.done $0x0  }
0x1e: {  	s22 =	sor.u32 $0x10, s22;
	[sflag:s13] =	ssyncadd.s32 $0xFFFFFF80  }
0x1f: {  	[tilespmem:s15], [sflag:$0x1] =	stream.indirect.gather [hbm4b:s5+s14], $0x80, s4, s14, $0xb8;
	[tilespmem:$0x1C200] =	vst v63  }
0x20: {  	s29 =	sadd.s32 s6, s22  }
0x21: {  	[tilespmem:s16], [sflag:$0x3] =	stream.linear.gather [hbm4b:s29+s4], $0x80, $0x38;
	[tilespmem:$0x1C200] =	vst v63  }
0x22: {  	_ =	swait.ge [sflag:s13], $0x80  }
0x23: {  	[sflag:s13] =	ssyncset.done $0x0  }
0x24: {  	s22 =	sadd.s32 s2, s22;
	[sflag:s13] =	ssyncadd.s32 $0xFFFFFF80  }
0x25: {  	[tilespmem:s17], [sflag:$0x3] =	stream.linear.gather [hbm4b:s22+s4], $0x80, $0x38;
	[tilespmem:$0x1C200] =	vst v63  }
0x26: {  	_ =	swait.ge [sflag:s13], $0x80  }
0x27: {  	[sflag:s13] =	ssyncset.done $0x0  }
0x28: {  	[sflag:s13] =	ssyncadd.s32 $0xFFFFFF80  }
0x29: {  	[tilespmem:s18], [sflag:$0x2] =	stream.indirect.gather [hbm4b:s5+s14], $0x80, s16, s14, $0xb8;
	[tilespmem:$0x1C200] =	vst v63  }
0x2a: {  	_ =	swait.ge [sflag:s19], $0x4000  }
0x2b: {  	[sflag:s19] =	ssyncset.done $0x0  }
0x2c: {  	[sflag:s19] =	ssyncadd.s32 $0xFFFFC000  }
0x2d: {  	[spmem:s3] =	stream.indirect.scatter.add.f32 [tilespmem:s15], [sflag:$0x3], $0x80, s14, s14, $0xb8;
	[tilespmem:$0x1C200] =	vst v63  }
0x2e: {  	_ =	swait.ge [sflag:s13], $0x4000  }
0x2f: {  	[sflag:s13] =	ssyncset.done $0x0  }
0x30: {  	[sflag:s13] =	ssyncadd.s32 $0xFFFFC000  }
0x31: {  	_ =	swait.ge [sflag:s20], $0x4000  }
0x32: {  	[sflag:s20] =	ssyncset.done $0x0  }
0x33: {  	s30 =	simm.s32 $0x20;
	s31 =	sadd.s32 $0x20, s11;
	[sflag:s20] =	ssyncadd.s32 $0xFFFFC000  }
0x34: {  	[spmem:s3] =	stream.indirect.scatter.add.f32 [tilespmem:s18], [sflag:$0x3], $0x80, s17, s14, $0xb8;
	[tilespmem:$0x1C200] =	vst v63  }
0x35: {  	s23 =	sand.u32 $0x1FF80, s31;
	s22 =	sand.u32 $0x60, s30;
	_ =	swait.ge [sflag:s13], $0x4000  }
0x36: {  	s25 =	simm.s32 $0x40;
	s24 =	sor.u32 s22, s23;
	[sflag:s13] =	ssyncset.done $0x0  }
.LBB2_2:
0x37: {  	s26 =	sadd.s32 s6, s24  }
0x38: {  	[sflag:s13] =	ssyncadd.s32 $0xFFFFC000;
	s23 =	smov.u32 s25;
	s22 =	sadd.s32 $0x20, s25  }
0x39: {  	[tilespmem:s4], [sflag:$0x3] =	stream.linear.gather [hbm4b:s26+s4], $0x80, $0x38;
	[tilespmem:$0x1C200] =	vst v63  }
0x3a: {  	p0 =	sne.s32 s25, $0x4E0;
	_ =	swait.ge [sflag:s13], $0x80  }
0x3b: {  	[sflag:s13] =	ssyncset.done $0x0  }
0x3c: {  	s25 =	sadd.s32 s2, s24;
	[sflag:s13] =	ssyncadd.s32 $0xFFFFFF80  }
0x3d: {  	[tilespmem:s14], [sflag:$0x3] =	stream.linear.gather [hbm4b:s25+s4], $0x80, $0x38;
	[tilespmem:$0x1C200] =	vst v63  }
0x3e: {  	_ =	swait.ge [sflag:s13], $0x80  }
0x3f: {  	[sflag:s13] =	ssyncset.done $0x0  }
0x40: {  	s24 =	sor.u32 $0x10, s24;
	[sflag:s13] =	ssyncadd.s32 $0xFFFFFF80  }
0x41: {  	[tilespmem:s15], [sflag:$0x1] =	stream.indirect.gather [hbm4b:s5+s14], $0x80, s4, s14, $0xb8;
	[tilespmem:$0x1C200] =	vst v63  }
0x42: {  	s25 =	sadd.s32 s6, s24  }
0x43: {  	[tilespmem:s16], [sflag:$0x3] =	stream.linear.gather [hbm4b:s25+s4], $0x80, $0x38;
	[tilespmem:$0x1C200] =	vst v63  }
0x44: {  	_ =	swait.ge [sflag:s13], $0x80  }
0x45: {  	[sflag:s13] =	ssyncset.done $0x0  }
0x46: {  	s24 =	sadd.s32 s2, s24;
	[sflag:s13] =	ssyncadd.s32 $0xFFFFFF80  }
0x47: {  	[tilespmem:s17], [sflag:$0x3] =	stream.linear.gather [hbm4b:s24+s4], $0x80, $0x38;
	[tilespmem:$0x1C200] =	vst v63  }
0x48: {  	_ =	swait.ge [sflag:s13], $0x80  }
0x49: {  	[sflag:s13] =	ssyncset.done $0x0  }
0x4a: {  	[sflag:s13] =	ssyncadd.s32 $0xFFFFFF80  }
0x4b: {  	[tilespmem:s18], [sflag:$0x2] =	stream.indirect.gather [hbm4b:s5+s14], $0x80, s16, s14, $0xb8;
	[tilespmem:$0x1C200] =	vst v63  }
0x4c: {  	_ =	swait.ge [sflag:s19], $0x4000  }
0x4d: {  	[sflag:s19] =	ssyncset.done $0x0  }
0x4e: {  	[sflag:s19] =	ssyncadd.s32 $0xFFFFC000  }
0x4f: {  	[spmem:s3] =	stream.indirect.scatter.add.f32 [tilespmem:s15], [sflag:$0x3], $0x80, s14, s14, $0xb8;
	[tilespmem:$0x1C200] =	vst v63  }
0x50: {  	_ =	swait.ge [sflag:s13], $0x4000  }
0x51: {  	[sflag:s13] =	ssyncset.done $0x0  }
0x52: {  	[sflag:s13] =	ssyncadd.s32 $0xFFFFC000  }
0x53: {  	_ =	swait.ge [sflag:s20], $0x4000  }
.Ltmp0:
0x54: {  	[sflag:s20] =	ssyncset.done $0x0;
	(pc) =	sbr.rel @p0 .LBB2_2-.Ltmp0, $4  }
0x55: {  	s24 =	sadd.s32 s23, s11;
	[sflag:s20] =	ssyncadd.s32 $0xFFFFC000  }
0x56: {  	[spmem:s3] =	stream.indirect.scatter.add.f32 [tilespmem:s18], [sflag:$0x3], $0x80, s17, s14, $0xb8;
	[tilespmem:$0x1C200] =	vst v63  }
0x57: {  	s23 =	sand.u32 $0x60, s23;
	s24 =	sand.u32 $0x1FF80, s24;
	_ =	swait.ge [sflag:s13], $0x4000  }
0x58: {  	s25 =	smov.u32 s22;
	s24 =	sor.u32 s23, s24;
	[sflag:s13] =	ssyncset.done $0x0  }
0x59: {  	s22 =	sadd.s32 s6, s24;
	[sflag:s13] =	ssyncadd.s32 $0xFFFFC000  }
0x5a: {  	[tilespmem:s4], [sflag:$0x3] =	stream.linear.gather [hbm4b:s22+s4], $0x80, $0x38;
	[tilespmem:$0x1C200] =	vst v63  }
0x5b: {  	_ =	swait.ge [sflag:s13], $0x80  }
0x5c: {  	[sflag:s13] =	ssyncset.done $0x0  }
0x5d: {  	s30 =	sadd.s32 s2, s24;
	[sflag:s13] =	ssyncadd.s32 $0xFFFFFF80  }
0x5e: {  	[tilespmem:s14], [sflag:$0x3] =	stream.linear.gather [hbm4b:s30+s4], $0x80, $0x38;
	[tilespmem:$0x1C200] =	vst v63  }
0x5f: {  	_ =	swait.ge [sflag:s13], $0x80  }
0x60: {  	[sflag:s13] =	ssyncset.done $0x0  }
0x61: {  	s31 =	sor.u32 $0x10, s24;
	[sflag:s13] =	ssyncadd.s32 $0xFFFFFF80  }
0x62: {  	[tilespmem:s15], [sflag:$0x1] =	stream.indirect.gather [hbm4b:s5+s14], $0x80, s4, s14, $0xb8;
	[tilespmem:$0x1C200] =	vst v63  }
0x63: {  	s23 =	sadd.s32 s6, s31  }
0x64: {  	[tilespmem:s16], [sflag:$0x3] =	stream.linear.gather [hbm4b:s23+s4], $0x80, $0x38;
	[tilespmem:$0x1C200] =	vst v63  }
0x65: {  	_ =	swait.ge [sflag:s13], $0x80  }
0x66: {  	[sflag:s13] =	ssyncset.done $0x0  }
0x67: {  	s22 =	sadd.s32 s2, s31;
	[sflag:s13] =	ssyncadd.s32 $0xFFFFFF80  }
0x68: {  	[tilespmem:s17], [sflag:$0x3] =	stream.linear.gather [hbm4b:s22+s4], $0x80, $0x38;
	[tilespmem:$0x1C200] =	vst v63  }
0x69: {  	_ =	swait.ge [sflag:s13], $0x80  }
0x6a: {  	[sflag:s13] =	ssyncset.done $0x0  }
0x6b: {  	[sflag:s13] =	ssyncadd.s32 $0xFFFFFF80  }
0x6c: {  	[tilespmem:s18], [sflag:$0x2] =	stream.indirect.gather [hbm4b:s5+s14], $0x80, s16, s14, $0xb8;
	[tilespmem:$0x1C200] =	vst v63  }
0x6d: {  	_ =	swait.ge [sflag:s19], $0x4000  }
0x6e: {  	[sflag:s19] =	ssyncset.done $0x0  }
0x6f: {  	[sflag:s19] =	ssyncadd.s32 $0xFFFFC000  }
0x70: {  	[spmem:s3] =	stream.indirect.scatter.add.f32 [tilespmem:s15], [sflag:$0x3], $0x80, s14, s14, $0xb8;
	[tilespmem:$0x1C200] =	vst v63  }
0x71: {  	_ =	swait.ge [sflag:s13], $0x4000  }
0x72: {  	[sflag:s13] =	ssyncset.done $0x0  }
0x73: {  	[sflag:s13] =	ssyncadd.s32 $0xFFFFC000  }
0x74: {  	_ =	swait.ge [sflag:s20], $0x4000  }
0x75: {  	[sflag:s20] =	ssyncset.done $0x0  }
0x76: {  	[sflag:s20] =	ssyncadd.s32 $0xFFFFC000  }
0x77: {  	[spmem:s3] =	stream.indirect.scatter.add.f32 [tilespmem:s18], [sflag:$0x3], $0x80, s17, s14, $0xb8;
	[tilespmem:$0x1C200] =	vst v63  }
0x78: {  	_ =	swait.ge [sflag:s13], $0x4000  }
0x79: {  	s21 =	sadd.s32 $0x1, s21;
	[sflag:s13] =	ssyncset.done $0x0  }
0x7a: {  	p0 =	sne.s32 s21, s10;
	[sflag:s13] =	ssyncadd.s32 $0xFFFFC000  }
.Ltmp1:
0x7b: {  	[bflag:$0x0] =	sbarrier.arrive $0xFFFF;
	(pc) =	sbr.rel @p0 .LBB2_1-.Ltmp1, $4  }
0x7c: {  	[hbm:s9], [sflag:s8] =	dma.local [spmem:s12], $0x2800  }
0x7d: {  	_ =	swait.ge [sflag:s13], $0x2800  }
0x7e: {  	[sflag:s13] =	ssyncset.done $0x0  }
0x7f: {  	[sflag:s13] =	ssyncadd.s32 $0xFFFFD800  }
0x80: {  	_ =	sfence.sel $0x180000  }
0x81: {  	[bflag:$0x0] =	sbarrier.arrive $0xFFFF  }
0x82: {  	p0 =	sne.s32 s1, $0x0;
	_ =	strace $0x9000004A  }
0x83: {  	s0 =	sadd.s32 @!p0 $0x100000, s0;
	[bflag:$0x2] =	sbarrier.arrive $0xFFFF  }
0x84: {  	[sflag:s0] =	ssyncadd.tile.s32 @!p0 $0x1;
	_ =	shalt  }
.Lfunc_end2:
_tile_overlayer_lowered:
.L_overlay_start_2:
0x85: {  	(tag) =	ssettag $0x2  }
0x86: {  	s0 =	rddreg [dreg:$0x0];
	s2 =	stileid.u32  }
0x87: {  	s1 =	rddreg [dreg:$0x1];
	p0 =	sne.s32 s2, $0x0  }
0x88: {  	s3 =	rddreg [dreg:$0x2];
	[bflag:$0x3] =	sbarrier.arrive $0xFFFF;
	s2 =	simm.s32 @!p0 $0x1C03  }
0x89: {  	[timem:s3], [sflag:s2] =	dma.local @!p0 [hbm:s0], s1  }
0x8a: {  	s0 =	simm.s32 @!p0 $0x3  }
0x8b: {  	_ =	swait.ge @!p0 [sflag:s0], s1  }
0x8c: {  	s1 =	ssub.s32 @!p0 $0x0, s1;
	[sflag:s0] =	ssyncset.done @!p0 $0x0  }
0x8d: {  	[sflag:s0] =	ssyncadd.s32 @!p0 s1  }
0x8e: {  	[bflag:$0x3] =	sbarrier.arrive $0xFFFF  }
0x8f: {  	_ =	shalt  }

// kernel: kernel.7.cloned.1.call-start
scs
__scs_entry_jumppad:
0x0: {  	(pc) =	sbr.rel $0x88, $3  }
0x1: {  	(tag) =	ssettag $0x0;
	lr =	simm.s32 $0x1  }
0x2: {  	[smem:$0x3F95] =	sst lr;
	_ =	strace $0xD0000000  }
0x3: {  	_ = 	snop  }
0x4: {  	_ = 	snop  }
0x5: {  	_ = 	snop  }
0x6: {  	_ = 	snop  }
0x7: {  	_ = 	snop  }
__scs_overlays_trampoline_lowered:
0x8: {  	[smem:$0x3FA4] =	sst s0  }
0x9: {  	[smem:$0x3FA5] =	sst s1  }
0xa: {  	[smem:$0x3FA6] =	sst s2  }
0xb: {  	[smem:$0x3FA7] =	sst s3  }
0xc: {  	[smem:$0x3FA8] =	sst s4  }
0xd: {  	[smem:$0x3FA9] =	sst s5  }
0xe: {  	[smem:$0x3FAA] =	sst s6  }
0xf: {  	[smem:$0x3FAB] =	sst s7  }
0x10: {  	[smem:$0x3FAC] =	sst s8  }
0x11: {  	[smem:$0x3FAD] =	sst s9;
	s0 =	simm.s32 @!p0 $0x0  }
0x12: {  	s1 =	sld [smem:$0x3F93];
	s0 =	simm.s32 @p0 $0x1  }
0x13: {  	[smem:$0x3FAE] =	sst s0;
	s0 =	simm.s32 @!p1 $0x0  }
0x14: {  	s2 =	sld [smem:$0x3F92];
	s0 =	simm.s32 @p1 $0x1  }
0x15: {  	[smem:$0x3FAF] =	sst s0;
	s0 =	simm.s32 @!p2 $0x0  }
0x16: {  	s3 =	sld [smem:$0x3FDB];
	s0 =	simm.s32 @p2 $0x1  }
0x17: {  	s4 =	simm.s32 $0x1BF5;
	[smem:$0x3FB1] =	sst s0  }
0x18: {  	s0 =	sld [smem:$0x3F94];
	_ =	swait.ge [sflag:s4], $0x0  }
0x19: {  	s7 =	sld [smem:$0x3F95]  }
0x1a: {  	s8 =	sadd.s32 $0xFFFFE003, lr  }
0x1b: {  	s9 =	sadd.s32 $0xFFFFFEF7, lr;
	s5 =	simm.s32 $0xFFFFFFFF;
	p2 =	slt.u32 s8, $0xFFFFF086  }
0x1c: {  	p1 =	slt.u32 s9, $0xF7A;
	s5 =	simm.s32 @!p2 $0x0  }
0x1d: {  	s5 =	simm.s32 @p1 $0x1;
	p0 =	seq.s32 s7, s2  }
0x1e: {  	s7 =	smul.u32 @!p0 $0xF7A, s2;
	p2 =	seq.s32 @!p0 s5, $0x0  }
0x1f: {  	s9 =	smul.u32 $0xF7A, s1;
	s8 =	simm.s32 @!p0 $0x1BF5;
	p2 =	por !p2, p0  }
0x20: {  	[sflag:s8] =	ssyncset.s32 @!p0 $0xFFFFF086;
	s6 =	sadd.s32 @!p0 s3, s7;
	s7 =	simm.s32 @!p0 $0x108  }
0x21: {  	s3 =	sadd.s32 s3, s9;
	s6 =	sadd.s32 @!p0 $0x88, s6;
	s7 =	simm.s32 @p2 $0x1082  }
0x22: {  	[simem:s7], [sflag:s8] =	dma.local @!p0 [hbm:s6], $0xF7A  }
0x23: {  	s9 =	sor.u32 $0xD0000000, s2;
	s6 =	simm.s32 $0x108;
	_ =	swait.ge @!p0 [sflag:s8], $0x0  }
0x24: {  	s3 =	sadd.s32 $0x88, s3;
	s6 =	simm.s32 @!p1 $0x1082;
	[sflag:s4] =	ssyncset.s32 $0xFFFFF086  }
0x25: {  	[simem:s6], [sflag:s4] =	dma.local [hbm:s3], $0xF7A  }
0x26: {  	[smem:$0x3F95] =	sst s1;
	(tag) =	ssettag s2;
	_ =	strace s9  }
0x27: {  	s1 =	sld [smem:$0x3FA5]  }
0x28: {  	s2 =	sld [smem:$0x3FA6]  }
0x29: {  	s4 =	sld [smem:$0x3FA8]  }
0x2a: {  	p0 =	seq.s32 s5, $0x0;
	s5 =	sld [smem:$0x3FA9]  }
0x2b: {  	s6 =	sld [smem:$0x3FAA]  }
0x2c: {  	s7 =	sld [smem:$0x3FAB]  }
0x2d: {  	s3 =	simm.s32 $0x108;
	s8 =	sld [smem:$0x3FAC]  }
0x2e: {  	s3 =	simm.s32 @!p0 $0x1082;
	s9 =	sld [smem:$0x3FAD]  }
0x2f: {  	lr =	sadd.s32 s0, s3;
	s0 =	sld [smem:$0x3FA4]  }
0x30: {  	s3 =	sld [smem:$0x3FA7]  }
0x31: {  	[smem:$0x3FB0] =	sst s10  }
0x32: {  	s10 =	sld [smem:$0x3FAE];
	_ =	sdelay $0x3  }
0x33: {  	p0 =	seq.s32 s10, $0x1;
	s10 =	sld [smem:$0x3FB0];
	_ =	sdelay $0x3  }
0x34: {  	[smem:$0x3FB0] =	sst s10  }
0x35: {  	s10 =	sld [smem:$0x3FAF];
	_ =	sdelay $0x3  }
0x36: {  	p1 =	seq.s32 s10, $0x1;
	s10 =	sld [smem:$0x3FB0];
	_ =	sdelay $0x3  }
0x37: {  	[smem:$0x3FB0] =	sst s10  }
0x38: {  	s10 =	sld [smem:$0x3FB1]  }
0x39: {  	_ = 	snop;
	(pc) =	sbr.ind lr, $3  }
0x3a: {  	_ = 	snop  }
0x3b: {  	_ = 	snop  }
0x3c: {  	p2 =	seq.s32 s10, $0x1;
	s10 =	sld [smem:$0x3FB0]  }
0x3d: {  	_ =	shalt  }
0x3e: {  	_ =	shalt  }
0x3f: {  	_ =	shalt  }
0x40: {  	_ =	shalt  }
0x41: {  	_ =	shalt  }
0x42: {  	_ =	shalt  }
0x43: {  	_ =	shalt  }
0x44: {  	_ =	shalt  }
0x45: {  	_ =	shalt  }
0x46: {  	_ =	shalt  }
0x47: {  	_ =	shalt  }
0x48: {  	_ =	shalt  }
0x49: {  	_ =	shalt  }
0x4a: {  	_ =	shalt  }
0x4b: {  	_ =	shalt  }
0x4c: {  	_ =	shalt  }
0x4d: {  	_ =	shalt  }
0x4e: {  	_ =	shalt  }
0x4f: {  	_ =	shalt  }
0x50: {  	_ =	shalt  }
0x51: {  	_ =	shalt  }
0x52: {  	_ =	shalt  }
0x53: {  	_ =	shalt  }
0x54: {  	_ =	shalt  }
0x55: {  	_ =	shalt  }
0x56: {  	_ =	shalt  }
0x57: {  	_ =	shalt  }
0x58: {  	_ =	shalt  }
0x59: {  	_ =	shalt  }
0x5a: {  	_ =	shalt  }
0x5b: {  	_ =	shalt  }
0x5c: {  	_ =	shalt  }
0x5d: {  	_ =	shalt  }
0x5e: {  	_ =	shalt  }
0x5f: {  	_ =	shalt  }
0x60: {  	_ =	shalt  }
0x61: {  	_ =	shalt  }
0x62: {  	_ =	shalt  }
0x63: {  	_ =	shalt  }
0x64: {  	_ =	shalt  }
0x65: {  	_ =	shalt  }
0x66: {  	_ =	shalt  }
0x67: {  	_ =	shalt  }
0x68: {  	_ =	shalt  }
0x69: {  	_ =	shalt  }
0x6a: {  	_ =	shalt  }
0x6b: {  	_ =	shalt  }
0x6c: {  	_ =	shalt  }
0x6d: {  	_ =	shalt  }
0x6e: {  	_ =	shalt  }
0x6f: {  	_ =	shalt  }
0x70: {  	_ =	shalt  }
0x71: {  	_ =	shalt  }
0x72: {  	_ =	shalt  }
0x73: {  	_ =	shalt  }
0x74: {  	_ =	shalt  }
0x75: {  	_ =	shalt  }
0x76: {  	_ =	shalt  }
0x77: {  	_ =	shalt  }
0x78: {  	_ =	shalt  }
0x79: {  	_ =	shalt  }
0x7a: {  	_ =	shalt  }
0x7b: {  	_ =	shalt  }
0x7c: {  	_ =	shalt  }
0x7d: {  	_ =	shalt  }
0x7e: {  	_ =	shalt  }
0x7f: {  	_ =	shalt  }
0x80: {  	_ =	shalt  }
0x81: {  	_ =	shalt  }
0x82: {  	_ =	shalt  }
0x83: {  	_ =	shalt  }
0x84: {  	_ =	shalt  }
0x85: {  	_ =	shalt  }
0x86: {  	_ =	shalt  }
0x87: {  	_ =	shalt  }
.Lfunc_end0:
.L_simem_size_0:
called_computation_lowered:
.L_overlay_start_0:
0x88: {  	s2 =	sld [smem:$0x3FD9]  }
0x89: {  	s3 =	sld [smem:$0x3FFE];
	_ =	sdelay $0x1  }
0x8a: {  	s1 =	srdreg.scid  }
0x8b: {  	s0 =	sand.u32 $0x1, s1  }
0x8c: {  	s14 =	sshll.u32 s0, $0xA;
	s2 =	sadd.s32 s3, s2  }
0x8d: {  	s2 =	sadd.s32 s2, s14  }
0x8e: {  	[smem:$0x3FBC] =	sst s2  }
0x8f: {  	_ = 	snop  }
0x90: {  	s2 =	sld [smem:$0x3FD0];
	_ =	sdelay $0x2  }
0x91: {  	s15 =	simm.s32 $0xA;
	s4 =	simm.s32 $0x10  }
0x92: {  	[smem:s4], [sflag:s15] =	dma.local [hbm:s2], $0x1  }
0x93: {  	_ =	swait.eq [sflag:s15], $0x1  }
0x94: {  	[sflag:s15] =	ssyncset.done $0x0  }
0x95: {  	[sflag:s15] =	ssyncadd.s32 $0xFFFFFFFF  }
0x96: {  	s16 =	sld [smem:$0x12];
	(tm) =	ssettm $0x1  }
0x97: {  	s17 =	sld [smem:$0x3FFB];
	_ =	sdelay $0x3  }
0x98: {  	_ =	strace s17  }
0x99: {  	s3 =	sld [smem:$0x3FFC];
	_ =	sdelay $0x3  }
0x9a: {  	_ =	strace s3  }
0x9b: {  	s3 =	sld [smem:$0x3FFD];
	_ =	sdelay $0x3  }
0x9c: {  	_ =	strace s3  }
0x9d: {  	_ =	strace $0x8FFFFFFF  }
0x9e: {  	s18 =	sld [smem:$0x3FDB];
	_ =	sdelay $0x1  }
0x9f: {  	s19 =	simm.s32 $_scs_section_size  }
0xa0: {  	s5 =	simm.s32 $_size__tile_overlayer_lowered;
	s6 =	simm.s32 $_tile_overlayer_lowered  }
0xa1: {  	s22 =	simm.s32 $0x1BFF;
	s21 =	sshll.u32 s6, $0x1;
	s3 =	sadd.s32 s19, s18  }
0xa2: {  	s7 =	simm.s32 $0x0;
	s20 =	sshll.u32 s5, $0x1;
	s5 =	sadd.s32 s21, s3  }
0xa3: {  	[timem:s7], [sflag:s22] =	dma.local [hbm:s5], s20  }
0xa4: {  	_ =	swait.ge [sflag:s22], s20  }
0xa5: {  	s4 =	ssub.s32 $0x0, s20;
	[sflag:s22] =	ssyncset.done $0x0  }
0xa6: {  	[sflag:s22] =	ssyncadd.s32 s4;
	_ =	sdelay $0x1  }
0xa7: {  	s23 =	simm.s32 $0x1B8B  }
0xa8: {  	_ =	swait.ge [sflag:s23], $0x1  }
0xa9: {  	[sflag:s23] =	ssyncset.done $0x0  }
0xaa: {  	s25 =	simm.s32 $0x1B8E;
	s24 =	sld [smem:$0x3FFE];
	[sflag:s23] =	ssyncadd.s32 $0xFFFFFFFF  }
0xab: {  	s26 =	simm.s32 $execute0_lowered;
	[smem:$0x3FD2] =	sst s25  }
0xac: {  	s5 =	sshll.u32 s26, $0x1;
	_ =	strace $0x80000046;
	[dreg:$0x1] =	wrdreg $0xFFFFFFFF  }
0xad: {  	s28 =	simm.s32 $_size_execute0_lowered;
	s3 =	sadd.s32 s3, s5;
	[dreg:$0x0] =	wrdreg $0x0  }
0xae: {  	s5 =	sshll.u32 s28, $0x1;
	[dreg:$0x2] =	wrdreg s3  }
0xaf: {  	[dreg:$0x3] =	wrdreg s5  }
0xb0: {  	[dreg:$0x4] =	wrdreg $0xC0  }
0xb1: {  	_ =	task [dreg:s7], $0x5FFFF  }
0xb2: {  	[dreg:$0x1] =	wrdreg $0xFFFFFFFF  }
0xb3: {  	[dreg:$0x0] =	wrdreg $0x60  }
0xb4: {  	[dreg:$0x2] =	wrdreg s24  }
0xb5: {  	[dreg:$0x3] =	wrdreg s16  }
0xb6: {  	[dreg:$0x4] =	wrdreg $0x82000  }
0xb7: {  	[dreg:$0x5] =	wrdreg $0x9  }
0xb8: {  	_ =	task.clear_ibuf [dreg:s7], $0x6FFFF;
	_ =	strace $0x90000046  }
0xb9: {  	s29 =	simm.s32 $0x9;
	_ =	strace $0x80000048  }
0xba: {  	_ =	swait.ge [sflag:s29], $0x1  }
0xbb: {  	[sflag:s29] =	ssyncadd.s32 $0xFFFFFFFF  }
0xbc: {  	_ =	strace $0x90000048  }
0xbd: {  	_ =	sfence  }
0xbe: {  	s30 =	sld [smem:$0x0];
	_ =	sdelay $0x2  }
0xbf: {  	s31 =	sshll.u32 s1, $0xD;
	s1 =	sshrl.u32 s1, $0x2  }
0xc0: {  	s3 =	sand.u32 $0x4000, s31;
	s1 =	sadd.s32 s1, s30  }
0xc1: {  	s0 =	sor.u32 s3, s0;
	s1 =	sshll.u32 s1, $0x11  }
0xc2: {  	s0 =	sor.u32 s1, s0  }
0xc3: {  	s0 =	sadd.s32 $0x8F2B, s0  }
0xc4: {  	[sflag:s0] =	ssyncadd.remote.s32 $0x1  }
0xc5: {  	_ =	sfence.sel $0xFFFF  }
0xc6: {  	[dreg:$0x0] =	wrdreg $0xFFFFFFFF;
	(pc) =	sbr.abs _section_cstart, $3  }
0xc7: {  	[dreg:$0x1] =	wrdreg $0xFFFFFFFF  }
0xc8: {  	_ =	task.clear_ibuf [dreg:s7], $0x2FFFF;
	_ =	strace $0x9FFFFFFF  }
0xc9: {  	(tm) =	ssettm $0x7FFFFFFF  }
tec
execute0_lowered:
.L_overlay_start_1:
0x0: {  	(tag) =	ssettag $0x1  }
0x1: {  	s7 =	rddreg [dreg:$0x0]  }
0x2: {  	s1 =	rddreg [dreg:$0x1]  }
0x3: {  	s2 =	rddreg [dreg:$0x2];
	s3 =	srdreg.scid  }
0x4: {  	s0 =	rddreg [dreg:$0x3];
	s4 =	simm.s32 $0x0;
	s16 =	simm.s32 $0x200  }
0x5: {  	s17 =	simm.s32 $0x100;
	s18 =	simm.s32 $0x180;
	s19 =	simm.s32 $0x4200  }
0x6: {  	s20 =	simm.s32 $0x1C200;
	s8 =	sand.u32 $0x1, s3;
	s3 =	stileid.u32  }
0x7: {  	s21 =	simm.s32 $0x1;
	s22 =	simm.s32 $0x2;
	s9 =	smul.u32 $0x14000, s3  }
0x8: {  	[smem:$0x7FF] =	sst s4;
	s5 =	sshll.u32 s8, $0x4;
	s10 =	smul.u32 $0x140000, s8  }
0x9: {  	_ =	strace $0x80000047;
	s12 =	sshll.u32 s3, $0x7;
	s26 =	smul.u32 $0x50000, s3  }
0xa: {  	s25 =	ssub.s32 $0x2, s8;
	s30 =	smul.u32 $0x5000, s8;
	s31 =	sshll.u32 s3, $0x6  }
0xb: {  	s15 =	smul.u32 $0x500, s3;
	s6 =	sor.u32 s3, s5;
	s5 =	sadd.s32 $0xCC00, s7  }
0xc: {  	s23 =	sand.u32 $0x380, s12;
	s28 =	sshrl.u32 s25, $0x1;
	s8 =	sor.u32 $0x1C03, s31  }
0xd: {  	s11 =	sshrl.u32 s6, $0x3;
	s6 =	sadd.s32 $0x2C00, s7;
	s13 =	sshrl.u32 s9, $0x3  }
0xe: {  	s9 =	sadd.s32 s9, s10;
	s29 =	sshrl.u32 s26, $0x2;
	s12 =	sadd.s32 s15, s30  }
0xf: {  	s15 =	simm.s32 $0x80;
	s11 =	smul.u32 $0x14000, s11;
	s9 =	sshrl.u32 s9, $0x3  }
0x10: {  	s24 =	sadd.s32 s13, s7;
	s14 =	sadd.s32 s29, s2;
	s9 =	sadd.s32 s9, s7  }
0x11: {  	s13 =	sshrl.u32 s14, $0x3;
	s14 =	simm.s32 $0x3;
	s10 =	sor.u32 s23, s11  }
0x12: {  	s11 =	ssub.s32 s25, s28;
	s9 =	sadd.s32 $0x66C00, s9;
	s10 =	sshrl.u32 s10, $0x3  }
0x13: {  	s23 =	simm.s32 $0x400;
	s11 =	smax.u32 s11, $0x1;
	s10 =	sadd.s32 s10, s7  }
0x14: {  	v0 =	vimm.f32 $0.0e+00;
	v1 =	vimm.f32 $1.000000000e+00;
	s7 =	sadd.s32 $0x34C00, s24;
	s24 =	simm.s32 $0x0;
	s10 =	sadd.s32 $0x5CC00, s10  }
.LBB2_1:
0x15: {  	[spmem:s13], [sflag:s8] =	dma.local [hbm:s7], $0x2800  }
0x16: {  	_ =	swait.ge [sflag:s14], $0x2800  }
0x17: {  	[sflag:s14] =	ssyncset.done $0x0  }
0x18: {  	s25 =	simm.s32 $0x40;
	s26 =	simm.s32 $0x0;
	[sflag:s14] =	ssyncadd.s32 $0xFFFFD800  }
.LBB2_2:
0x19: {  	p0 =	sne.s32 s25, $0x9FC0;
	[tilespmem:s26+$0x1C200] =	vst v0;
	s26 =	smov.u32 s25;
	s25 =	sadd.s32 $0x40, s25  }
.Ltmp0:
0x1a: {  	(pc) =	sbr.rel @p0 .LBB2_2-.Ltmp0, $2  }
0x1b: {  	_ =	sdelay $0x2  }
0x1c: {  	s26 =	sshra.s32 s26, $0x2  }
0x1d: {  	[tilespmem:s26+$0x1C200] =	vst v0  }
0x1e: {  	s25 =	simm.s32 $0x0;
	[bflag:$0x0] =	sbarrier.arrive $0xFFFF  }
.LBB2_4:
0x1f: {  	s26 =	sadd.s32 s25, s12  }
0x20: {  	s28 =	sand.u32 $0x60, s25;
	s26 =	sand.u32 $0x1FF80, s26  }
0x21: {  	s26 =	sor.u32 s28, s26  }
0x22: {  	s28 =	sadd.s32 s6, s26  }
0x23: {  	[tilespmem:s4], [sflag:$0x3] =	stream.linear.gather [hbm4b:s28+s4], $0x80, $0x38;
	[tilespmem:$0x1EA00] =	vst v63  }
0x24: {  	_ =	swait.ge [sflag:s14], $0x80  }
0x25: {  	[sflag:s14] =	ssyncset.done $0x0  }
0x26: {  	s30 =	sadd.s32 s1, s26;
	[sflag:s14] =	ssyncadd.s32 $0xFFFFFF80  }
0x27: {  	[tilespmem:s15], [sflag:$0x3] =	stream.linear.gather [hbm4b:s30+s4], $0x80, $0x38;
	[tilespmem:$0x1EA00] =	vst v63  }
0x28: {  	_ =	swait.ge [sflag:s14], $0x80  }
0x29: {  	[sflag:s14] =	ssyncset.done $0x0  }
0x2a: {  	s26 =	sor.u32 $0x10, s26;
	[sflag:s14] =	ssyncadd.s32 $0xFFFFFF80  }
0x2b: {  	[tilespmem:s16], [sflag:$0x1] =	stream.indirect.gather [hbm4b:s5+s15], $0x80, s4, s15, $0xb8;
	[tilespmem:$0x1EA00] =	vst v63  }
0x2c: {  	s31 =	sadd.s32 s6, s26  }
0x2d: {  	[tilespmem:s17], [sflag:$0x3] =	stream.linear.gather [hbm4b:s31+s4], $0x80, $0x38;
	[tilespmem:$0x1EA00] =	vst v63  }
0x2e: {  	_ =	swait.ge [sflag:s14], $0x80  }
0x2f: {  	[sflag:s14] =	ssyncset.done $0x0  }
0x30: {  	s26 =	sadd.s32 s1, s26;
	[sflag:s14] =	ssyncadd.s32 $0xFFFFFF80  }
0x31: {  	[tilespmem:s18], [sflag:$0x3] =	stream.linear.gather [hbm4b:s26+s4], $0x80, $0x38;
	[tilespmem:$0x1EA00] =	vst v63  }
0x32: {  	_ =	swait.ge [sflag:s14], $0x80  }
0x33: {  	[sflag:s14] =	ssyncset.done $0x0  }
0x34: {  	[sflag:s14] =	ssyncadd.s32 $0xFFFFFF80  }
0x35: {  	[tilespmem:s19], [sflag:$0x2] =	stream.indirect.gather [hbm4b:s5+s15], $0x80, s17, s15, $0xb8;
	[tilespmem:$0x1EA00] =	vst v63  }
0x36: {  	v2 =	vld [tilespmem:$0x80];
	_ =	sdelay $0x7  }
0x37: {  	[tilespmem:v2+s20+$0x0] =	vst.idx.add.f32.msk $0xffff, v1  }
0x38: {  	v2 =	vld [tilespmem:$0x90];
	_ =	sdelay $0x7  }
0x39: {  	[tilespmem:v2+s20+$0x0] =	vst.idx.add.f32.msk $0xffff, v1  }
0x3a: {  	v2 =	vld [tilespmem:$0xA0];
	_ =	sdelay $0x7  }
0x3b: {  	[tilespmem:v2+s20+$0x0] =	vst.idx.add.f32.msk $0xffff, v1  }
0x3c: {  	v2 =	vld [tilespmem:$0xB0];
	_ =	sdelay $0x7  }
0x3d: {  	[tilespmem:v2+s20+$0x0] =	vst.idx.add.f32.msk $0xffff, v1  }
0x3e: {  	v2 =	vld [tilespmem:$0xC0];
	_ =	sdelay $0x7  }
0x3f: {  	[tilespmem:v2+s20+$0x0] =	vst.idx.add.f32.msk $0xffff, v1  }
0x40: {  	v2 =	vld [tilespmem:$0xD0];
	_ =	sdelay $0x7  }
0x41: {  	[tilespmem:v2+s20+$0x0] =	vst.idx.add.f32.msk $0xffff, v1  }
0x42: {  	v2 =	vld [tilespmem:$0xE0];
	_ =	sdelay $0x7  }
0x43: {  	[tilespmem:v2+s20+$0x0] =	vst.idx.add.f32.msk $0xffff, v1  }
0x44: {  	v2 =	vld [tilespmem:$0xF0];
	_ =	sdelay $0x7  }
0x45: {  	[tilespmem:v2+s20+$0x0] =	vst.idx.add.f32.msk $0xffff, v1  }
0x46: {  	_ =	swait.ge [sflag:s21], $0x4000  }
0x47: {  	[sflag:s21] =	ssyncset.done $0x0  }
0x48: {  	[sflag:s21] =	ssyncadd.s32 $0xFFFFC000  }
0x49: {  	[spmem:s2] =	stream.indirect.scatter.add.f32 [tilespmem:s16], [sflag:$0x3], $0x80, s15, s15, $0xb8;
	[tilespmem:$0x1EA00] =	vst v63  }
0x4a: {  	_ =	swait.ge [sflag:s14], $0x4000  }
0x4b: {  	[sflag:s14] =	ssyncset.done $0x0  }
0x4c: {  	[sflag:s14] =	ssyncadd.s32 $0xFFFFC000  }
0x4d: {  	v2 =	vld [tilespmem:$0x180];
	_ =	sdelay $0x7  }
0x4e: {  	[tilespmem:v2+s20+$0x0] =	vst.idx.add.f32.msk $0xffff, v1  }
0x4f: {  	v2 =	vld [tilespmem:$0x190];
	_ =	sdelay $0x7  }
0x50: {  	[tilespmem:v2+s20+$0x0] =	vst.idx.add.f32.msk $0xffff, v1  }
0x51: {  	v2 =	vld [tilespmem:$0x1A0];
	_ =	sdelay $0x7  }
0x52: {  	[tilespmem:v2+s20+$0x0] =	vst.idx.add.f32.msk $0xffff, v1  }
0x53: {  	v2 =	vld [tilespmem:$0x1B0];
	_ =	sdelay $0x7  }
0x54: {  	[tilespmem:v2+s20+$0x0] =	vst.idx.add.f32.msk $0xffff, v1  }
0x55: {  	v2 =	vld [tilespmem:$0x1C0];
	_ =	sdelay $0x7  }
0x56: {  	[tilespmem:v2+s20+$0x0] =	vst.idx.add.f32.msk $0xffff, v1  }
0x57: {  	v2 =	vld [tilespmem:$0x1D0];
	_ =	sdelay $0x7  }
0x58: {  	[tilespmem:v2+s20+$0x0] =	vst.idx.add.f32.msk $0xffff, v1  }
0x59: {  	v2 =	vld [tilespmem:$0x1E0];
	_ =	sdelay $0x7  }
0x5a: {  	[tilespmem:v2+s20+$0x0] =	vst.idx.add.f32.msk $0xffff, v1  }
0x5b: {  	v2 =	vld [tilespmem:$0x1F0];
	_ =	sdelay $0x7  }
0x5c: {  	[tilespmem:v2+s20+$0x0] =	vst.idx.add.f32.msk $0xffff, v1  }
0x5d: {  	_ =	swait.ge [sflag:s22], $0x4000  }
0x5e: {  	p0 =	sne.s32 s25, $0x4E0;
	[sflag:s22] =	ssyncset.done $0x0  }
.Ltmp1:
0x5f: {  	[sflag:s22] =	ssyncadd.s32 $0xFFFFC000;
	(pc) =	sbr.rel @p0 .LBB2_4-.Ltmp1, $4  }
0x60: {  	[spmem:s2] =	stream.indirect.scatter.add.f32 [tilespmem:s19], [sflag:$0x3], $0x80, s18, s15, $0xb8;
	[tilespmem:$0x1EA00] =	vst v63  }
0x61: {  	_ =	swait.ge [sflag:s14], $0x4000  }
0x62: {  	[sflag:s14] =	ssyncset.done $0x0  }
0x63: {  	s25 =	sadd.s32 $0x20, s25;
	[sflag:s14] =	ssyncadd.s32 $0xFFFFC000  }
0x64: {  	[bflag:$0x0] =	sbarrier.arrive $0xFFFF  }
0x65: {  	[hbm:s9], [sflag:s8] =	dma.local [spmem:s13], $0x2800  }
0x66: {  	s24 =	sadd.s32 $0x1, s24;
	_ =	swait.ge [sflag:s14], $0x2800  }
0x67: {  	p0 =	sne.s32 s24, s11;
	[sflag:s14] =	ssyncset.done $0x0  }
.Ltmp2:
0x68: {  	[sflag:s14] =	ssyncadd.s32 $0xFFFFD800;
	(pc) =	sbr.rel @p0 .LBB2_1-.Ltmp2, $4  }
0x69: {  	[hbm4b:s10+s15] =	stream.strided.scatter [tilespmem:s20], [sflag:$0x3], $0x2800, s23, s15, $0x38;
	[tilespmem:$0x1EA00] =	vst v63  }
0x6a: {  	_ =	swait.ge [sflag:s14], $0x2800  }
0x6b: {  	[sflag:s14] =	ssyncset.done $0x0  }
0x6c: {  	[sflag:s14] =	ssyncadd.s32 $0xFFFFD800  }
0x6d: {  	_ =	sfence.sel $0x180000  }
0x6e: {  	[bflag:$0x0] =	sbarrier.arrive $0xFFFF  }
0x6f: {  	p0 =	sne.s32 s3, $0x0;
	_ =	strace $0x90000047  }
0x70: {  	s0 =	sadd.s32 @!p0 $0x100000, s0;
	[bflag:$0x2] =	sbarrier.arrive $0xFFFF  }
0x71: {  	[sflag:s0] =	ssyncadd.tile.s32 @!p0 $0x1;
	_ =	shalt  }
.Lfunc_end2:
_tile_overlayer_lowered:
.L_overlay_start_2:
0x72: {  	(tag) =	ssettag $0x2  }
0x73: {  	s0 =	rddreg [dreg:$0x0];
	s2 =	stileid.u32  }
0x74: {  	s1 =	rddreg [dreg:$0x1];
	p0 =	sne.s32 s2, $0x0  }
0x75: {  	s3 =	rddreg [dreg:$0x2];
	[bflag:$0x3] =	sbarrier.arrive $0xFFFF;
	s2 =	simm.s32 @!p0 $0x1C03  }
0x76: {  	[timem:s3], [sflag:s2] =	dma.local @!p0 [hbm:s0], s1  }
0x77: {  	s0 =	simm.s32 @!p0 $0x3  }
0x78: {  	_ =	swait.ge @!p0 [sflag:s0], s1  }
0x79: {  	s1 =	ssub.s32 @!p0 $0x0, s1;
	[sflag:s0] =	ssyncset.done @!p0 $0x0  }
0x7a: {  	[sflag:s0] =	ssyncadd.s32 @!p0 s1  }
0x7b: {  	[bflag:$0x3] =	sbarrier.arrive $0xFFFF  }
0x7c: {  	_ =	shalt  }

</sc_bundles>
